<compile_context>
chip_gen: v7x
topology: tpu7x:2x2x1
jax: 0.10.2.dev20260603
libtpu: 0.0.44.dev20260713+nightly
codegen_flags: <defaults>
</compile_context>

<pallas_src>
import functools

import jax
import jax.numpy as jnp
from jax import lax
from jax.experimental import pallas as pl
from jax.experimental.pallas import tpu as pltpu
from jax.experimental.pallas import tpu_sc as plsc

N_NODES = 10000
N_EDGES = 320000
D = 128
DH = D // 2
N_CLASSES = 40

NC = 2
NS = 16
NW = NC * NS
CHUNK = 320
E_PAD = 327680
PAD_COL = 10200
NCH_DEG = E_PAD // (NW * CHUNK)
NCH_SCAT = E_PAD // (NS * CHUNK)
NPAD = 10240
RPT = NPAD // NS

_mesh = plsc.VectorSubcoreMesh(core_axis_name="c", subcore_axis_name="s")
_params = pltpu.CompilerParams(use_tc_tiling_on_sc=False)



def _deg_partials(col3, ones, zeros):

    @functools.partial(
        pl.kernel,
        mesh=_mesh,
        compiler_params=_params,
        out_type=jax.ShapeDtypeStruct((NPAD, 128), jnp.float32),
        scratch_types=[
            pltpu.VMEM((NCH_DEG, CHUNK), jnp.int32),
            pltpu.VMEM((CHUNK, 16), jnp.float32),
            pltpu.VMEM_SHARED((NPAD, 16), jnp.float32),
            pltpu.SemaphoreType.DMA,
        ],
    )
    def k(col_hbm, ones_hbm, zeros_hbm, out_hbm, col_v, ones_v, acc_sh, sem):
        c = lax.axis_index("c")
        s = lax.axis_index("s")
        wid = c * NS + s
        pltpu.async_copy(zeros_hbm, acc_sh.at[pl.ds(s * RPT, RPT)], sem).wait()
        pltpu.async_copy(ones_hbm, ones_v, sem).wait()
        pltpu.async_copy(col_hbm.at[wid], col_v, sem).wait()
        plsc.subcore_barrier()

        @pl.loop(0, NCH_DEG)
        def _(j):
            pltpu.sync_copy(ones_v, acc_sh.at[col_v.at[j]], add=True)

        plsc.subcore_barrier()
        pltpu.async_copy(
            acc_sh.at[pl.ds(s * RPT, RPT)],
            out_hbm.at[pl.ds(s * RPT, RPT), pl.ds(c * 16, 16)],
            sem,
        ).wait()

    return k(col3, ones, zeros)


def _scatter_partials(hview, rowlo3, rowhi3, col3, zeros):

    @functools.partial(
        pl.kernel,
        mesh=_mesh,
        compiler_params=_params,
        out_type=jax.ShapeDtypeStruct((NPAD, D), jnp.float32),
        scratch_types=[
            pltpu.VMEM((NCH_SCAT, CHUNK), jnp.int32),
            pltpu.VMEM((NCH_SCAT, CHUNK), jnp.int32),
            pltpu.VMEM((CHUNK, DH), jnp.float32),
            pltpu.VMEM((CHUNK, DH), jnp.float32),
            pltpu.VMEM_SHARED((NPAD, DH), jnp.float32),
            pltpu.SemaphoreType.DMA,
            pltpu.SemaphoreType.DMA,
            pltpu.SemaphoreType.DMA,
        ],
    )
    def k(h_hbm, rowlo_hbm, rowhi_hbm, col_hbm, zeros_hbm, out_hbm,
          row_v, col_v, buf0, buf1, acc_sh, g0, g1, sem2):
        c = lax.axis_index("c")
        s = lax.axis_index("s")
        pltpu.async_copy(zeros_hbm, acc_sh.at[pl.ds(s * RPT, RPT)], sem2).wait()
        pltpu.async_copy(col_hbm.at[s], col_v, g1).wait()

        @pl.when(c == 0)
        def _():
            pltpu.async_copy(rowlo_hbm.at[s], row_v, g0).wait()

        @pl.when(c == 1)
        def _():
            pltpu.async_copy(rowhi_hbm.at[s], row_v, g0).wait()

        plsc.subcore_barrier()

        pltpu.async_copy(h_hbm.at[row_v.at[0]], buf0, g0)

        @pl.loop(0, NCH_SCAT, step=2)
        def _(j):
            pltpu.make_async_copy(h_hbm.at[row_v.at[0]], buf0, g0).wait()
            pltpu.async_copy(h_hbm.at[row_v.at[j + 1]], buf1, g1)
            pltpu.sync_copy(buf0, acc_sh.at[col_v.at[j]], add=True)
            pltpu.make_async_copy(h_hbm.at[row_v.at[0]], buf1, g1).wait()

            @pl.when(j + 2 < NCH_SCAT)
            def _():
                pltpu.async_copy(h_hbm.at[row_v.at[j + 2]], buf0, g0)

            pltpu.sync_copy(buf1, acc_sh.at[col_v.at[j + 1]], add=True)

        plsc.subcore_barrier()
        pltpu.async_copy(
            acc_sh.at[pl.ds(s * RPT, RPT)],
            out_hbm.at[pl.ds(s * RPT, RPT), pl.ds(c * DH, DH)],
            sem2,
        ).wait()

    return k(hview, rowlo3, rowhi3, col3, zeros)



_R = N_NODES


def _dis_block(dgp_ref):
    d = dgp_ref[:N_NODES, 0:1] + dgp_ref[:N_NODES, 16:17] + 1.0
    return lax.rsqrt(d)


def _unpack(sp_ref, h_ref):
    return sp_ref[:N_NODES, :] + h_ref[...]


def _tc_first(x, W1, dgp):
    def body(x_ref, w_ref, dg_ref, o_ref):
        dis = _dis_block(dg_ref)
        h = jnp.dot(x_ref[...], w_ref[...],
                    preferred_element_type=jnp.float32) * dis
        o_ref[...] = h

    return pl.pallas_call(
        body,
        grid=(N_NODES // _R,),
        in_specs=[
            pl.BlockSpec((_R, D), lambda i: (i, 0)),
            pl.BlockSpec((D, D), lambda i: (0, 0)),
            pl.BlockSpec((NPAD, D), lambda i: (0, 0)),
        ],
        out_specs=pl.BlockSpec((_R, D), lambda i: (i, 0)),
        out_shape=jax.ShapeDtypeStruct((N_NODES, D), jnp.float32),
    )(x, W1, dgp)


def _tc_mid(Spv, h1, dgp, b1, W2):
    def body(sp_ref, h_ref, dg_ref, b_ref, w_ref, x1_ref, h2_ref):
        dis = _dis_block(dg_ref)
        agg = _unpack(sp_ref, h_ref)
        x1 = jnp.maximum(agg * dis + b_ref[...], 0.0)
        x1_ref[...] = x1
        h2_ref[...] = jnp.dot(x1, w_ref[...],
                              preferred_element_type=jnp.float32) * dis

    return pl.pallas_call(
        body,
        grid=(N_NODES // _R,),
        in_specs=[
            pl.BlockSpec((NPAD, D), lambda i: (0, 0)),
            pl.BlockSpec((_R, D), lambda i: (i, 0)),
            pl.BlockSpec((NPAD, D), lambda i: (0, 0)),
            pl.BlockSpec((1, D), lambda i: (0, 0)),
            pl.BlockSpec((D, D), lambda i: (0, 0)),
        ],
        out_specs=[
            pl.BlockSpec((_R, D), lambda i: (i, 0)),
            pl.BlockSpec((_R, D), lambda i: (i, 0)),
        ],
        out_shape=[
            jax.ShapeDtypeStruct((N_NODES, D), jnp.float32),
            jax.ShapeDtypeStruct((N_NODES, D), jnp.float32),
        ],
    )(Spv, h1, dgp, b1, W2)


def _tc_last(Spv, h2, dgp, b2, x1, Wlin, blin):
    def body(sp_ref, h_ref, dg_ref, b_ref, x1_ref, wl_ref, bl_ref, o_ref):
        dis = _dis_block(dg_ref)
        agg = _unpack(sp_ref, h_ref)
        x2 = jnp.maximum(agg * dis + b_ref[...], 0.0)
        hsum = x1_ref[...] + x2
        logits = jnp.dot(
            hsum, wl_ref[...], preferred_element_type=jnp.float32) + bl_ref[...]
        m = jnp.max(logits, axis=1, keepdims=True)
        lse = jnp.log(jnp.sum(jnp.exp(logits - m), axis=1, keepdims=True))
        o_ref[...] = logits - m - lse

    return pl.pallas_call(
        body,
        grid=(N_NODES // _R,),
        in_specs=[
            pl.BlockSpec((NPAD, D), lambda i: (0, 0)),
            pl.BlockSpec((_R, D), lambda i: (i, 0)),
            pl.BlockSpec((NPAD, D), lambda i: (0, 0)),
            pl.BlockSpec((1, D), lambda i: (0, 0)),
            pl.BlockSpec((_R, D), lambda i: (i, 0)),
            pl.BlockSpec((D, N_CLASSES), lambda i: (0, 0)),
            pl.BlockSpec((1, N_CLASSES), lambda i: (0, 0)),
        ],
        out_specs=pl.BlockSpec((_R, N_CLASSES), lambda i: (i, 0)),
        out_shape=jax.ShapeDtypeStruct((N_NODES, N_CLASSES), jnp.float32),
    )(Spv, h2, dgp, b2, x1, Wlin, blin)



def kernel(x, edge_index, W1, b1, W2, b2, Wlin, blin):
    ei = edge_index.astype(jnp.int32)
    n_extra = E_PAD - N_EDGES
    pad_rows = (jnp.arange(n_extra, dtype=jnp.int32) * 131) % N_NODES
    pad_cols = PAD_COL + (jnp.arange(n_extra, dtype=jnp.int32) % (NPAD - PAD_COL))
    row_p = jnp.concatenate([ei[0], pad_rows])
    col_p = jnp.concatenate([ei[1], pad_cols])
    col_deg = col_p.reshape(NW, NCH_DEG, CHUNK)
    rowlo3 = (2 * row_p).reshape(NS, NCH_SCAT, CHUNK)
    rowhi3 = (2 * row_p + 1).reshape(NS, NCH_SCAT, CHUNK)
    col3 = col_p.reshape(NS, NCH_SCAT, CHUNK)

    ones16 = jnp.ones((CHUNK, 16), jnp.float32)
    zeros16 = jnp.zeros((RPT, 16), jnp.float32)
    zerosH = jnp.zeros((RPT, DH), jnp.float32)

    dgp = _deg_partials(col_deg, ones16, zeros16)

    h1 = _tc_first(x, W1, dgp)
    S1 = _scatter_partials(h1.reshape(2 * N_NODES, DH), rowlo3, rowhi3, col3,
                           zerosH)
    x1, h2 = _tc_mid(S1, h1, dgp, b1.reshape(1, D), W2)
    S2 = _scatter_partials(h2.reshape(2 * N_NODES, DH), rowlo3, rowhi3, col3,
                           zerosH)
    return _tc_last(S2, h2, dgp, b2.reshape(1, D), x1,
                    Wlin, blin.reshape(1, N_CLASSES))

# --- scband reference (transcript-rebuilt; emitter-appended) ---
"""Pipeline reference for scband-jknet-91207925498527 (READ-ONLY COPY).

The authoritative reference and input builder live on the scoring server;
editing this copy changes nothing except your own understanding.
"""

import jax, jax.numpy as jnp
import numpy as np

N_NODES = 10000
D_FEAT = 128
HIDDEN = 128
N_CLASSES = 40
N_EDGES = 320000


def gcn_conv(x, edge_index, W, b, n_nodes):
    # PyG-style GCNConv: add self-loops, symmetric normalization, scatter-add aggregation
    row = edge_index[0]
    col = edge_index[1]
    loop = jnp.arange(n_nodes, dtype=edge_index.dtype)
    row = jnp.concatenate([row, loop])
    col = jnp.concatenate([col, loop])
    ones = jnp.ones(row.shape[0], dtype=x.dtype)
    deg = jnp.zeros(n_nodes, dtype=x.dtype).at[col].add(ones)
    deg_inv_sqrt = jnp.where(deg > 0, jax.lax.rsqrt(deg), 0.0)
    norm = deg_inv_sqrt[row] * deg_inv_sqrt[col]
    h = x @ W
    msg = h[row] * norm[:, None]
    out = jnp.zeros((n_nodes, W.shape[1]), dtype=x.dtype).at[col].add(msg)
    return out + b


def setup_inputs(seed: int = 0) -> dict:
    key = jax.random.key(seed)
    k_x, k_ei, k_w1, k_w2, k_wl = jax.random.split(key, 5)
    x = jax.random.normal(k_x, (N_NODES, D_FEAT), dtype=jnp.float32)
    edge_index = jax.random.randint(k_ei, (2, N_EDGES), 0, N_NODES, dtype=jnp.int64)
    s1 = 1.0 / np.sqrt(D_FEAT)
    s2 = 1.0 / np.sqrt(HIDDEN)
    W1 = jax.random.uniform(k_w1, (D_FEAT, HIDDEN), jnp.float32, -s1, s1)
    b1 = jnp.zeros((HIDDEN,), jnp.float32)
    W2 = jax.random.uniform(k_w2, (HIDDEN, HIDDEN), jnp.float32, -s2, s2)
    b2 = jnp.zeros((HIDDEN,), jnp.float32)
    Wlin = jax.random.uniform(k_wl, (HIDDEN, N_CLASSES), jnp.float32, -s2, s2)
    blin = jnp.zeros((N_CLASSES,), jnp.float32)
    return {"x": x, "edge_index": edge_index, "W1": W1, "b1": b1, "W2": W2, "b2": b2, "Wlin": Wlin, "blin": blin}


def reference(x, edge_index, W1, b1, W2, b2, Wlin, blin):
    n = x.shape[0]
    x1 = jax.nn.relu(gcn_conv(x, edge_index, W1, b1, n))
    # dropout p=0.5 is identity in eval mode (training=False)
    x2 = jax.nn.relu(gcn_conv(x1, edge_index, W2, b2, n))
    h = x1 + x2
    logits = h @ Wlin + blin
    return jax.nn.log_softmax(logits, axis=1)

if __name__ == "__main__":
    import jax
    _d = setup_inputs()
    print(jax.jit(kernel)(*tuple(_d.values())))

</pallas_src>

<mosaic_0001>
#map = affine_map<(d0, d1) -> (0, 0, 0)>
#map1 = affine_map<(d0, d1) -> (0, 0)>
module attributes {stable_mosaic.version = 14 : i64} {
  func.func @k(%arg0: i32, %arg1: i32, %arg2: memref<32x32x320xi32, #tpu.memory_space<hbm>>, %arg3: memref<320x16xf32, #tpu.memory_space<hbm>>, %arg4: memref<640x16xf32, #tpu.memory_space<hbm>>, %arg5: memref<10240x128xf32, #tpu.memory_space<hbm>>, %arg6: memref<32x320xi32, #tpu.memory_space<vmem>>, %arg7: memref<320x16xf32, #tpu.memory_space<vmem>>, %arg8: memref<10240x16xf32, #tpu.memory_space<vmem_shared>>, %arg9: memref<!tpu.dma_semaphore, #tpu.memory_space<semaphore_mem>>) attributes {dimension_semantics = [#tpu.dimension_semantics<core_parallel>, #tpu.dimension_semantics<subcore_parallel>], iteration_bounds = array<i64: 2, 16>, scalar_prefetch = 0 : i64, scratch_operands = 4 : i64, tpu.core_type = #tpu.core_type<sc_vector_subcore>, window_params = [{transform_indices = #map}, {transform_indices = #map1}, {transform_indices = #map1}, {transform_indices = #map1}]} {
    %mul3A = arith.constant 16 : i32
    %mul3A_0 = arith.muli %arg0, %mul3A : i32
    %add3A = arith.addi %mul3A_0, %arg1 : i32
    %mul3A_1 = arith.constant 640 : i32
    %mul3A_2 = arith.muli %arg1, %mul3A_1 : i32
    %dma_start3A = arith.constant 0 : i32
    %dma_start3A_3 = tpu.memref_slice %arg8[%mul3A_2, %dma_start3A] : memref<10240x16xf32, #tpu.memory_space<vmem_shared>> -> memref<640x16xf32, #tpu.memory_space<vmem_shared>>
    tpu.enqueue_dma source(%arg4 : memref<640x16xf32, #tpu.memory_space<hbm>>) target(%dma_start3A_3 : memref<640x16xf32, #tpu.memory_space<vmem_shared>>) target_semaphore(%arg9 : memref<!tpu.dma_semaphore, #tpu.memory_space<semaphore_mem>>)
    %dma_wait3A = arith.constant 0 : i32
    %dma_wait3A_4 = tpu.memref_slice %arg8[%mul3A_2, %dma_wait3A] : memref<10240x16xf32, #tpu.memory_space<vmem_shared>> -> memref<640x16xf32, #tpu.memory_space<vmem_shared>>
    tpu.wait_dma2 semaphore(%arg9 : memref<!tpu.dma_semaphore, #tpu.memory_space<semaphore_mem>>) src(%arg4 : memref<640x16xf32, #tpu.memory_space<hbm>>) dst(%dma_wait3A_4 : memref<640x16xf32, #tpu.memory_space<vmem_shared>>)
    tpu.enqueue_dma source(%arg3 : memref<320x16xf32, #tpu.memory_space<hbm>>) target(%arg7 : memref<320x16xf32, #tpu.memory_space<vmem>>) target_semaphore(%arg9 : memref<!tpu.dma_semaphore, #tpu.memory_space<semaphore_mem>>)
    tpu.wait_dma2 semaphore(%arg9 : memref<!tpu.dma_semaphore, #tpu.memory_space<semaphore_mem>>) src(%arg3 : memref<320x16xf32, #tpu.memory_space<hbm>>) dst(%arg7 : memref<320x16xf32, #tpu.memory_space<vmem>>)
    %dma_start3A_5 = arith.constant 0 : i32
    %dma_start3A_6 = arith.constant 0 : i32
    %dma_start3A_7 = tpu.memref_slice %arg2[%add3A, %dma_start3A_5, %dma_start3A_6] : memref<32x32x320xi32, #tpu.memory_space<hbm>> -> memref<1x32x320xi32, #tpu.memory_space<hbm>>
    %dma_start3A_8 = tpu.memref_squeeze %dma_start3A_7 : memref<1x32x320xi32, #tpu.memory_space<hbm>> -> memref<32x320xi32, #tpu.memory_space<hbm>>
    %dma_start3A_9 = arith.constant 0 : i32
    %dma_start3A_10 = arith.constant 0 : i32
    %dma_start3A_11 = tpu.memref_slice %arg2[%add3A, %dma_start3A_9, %dma_start3A_10] : memref<32x32x320xi32, #tpu.memory_space<hbm>> -> memref<1x32x320xi32, #tpu.memory_space<hbm>>
    %dma_start3A_12 = tpu.memref_squeeze %dma_start3A_11 : memref<1x32x320xi32, #tpu.memory_space<hbm>> -> memref<32x320xi32, #tpu.memory_space<hbm>>
    tpu.enqueue_dma source(%dma_start3A_12 : memref<32x320xi32, #tpu.memory_space<hbm>>) target(%arg6 : memref<32x320xi32, #tpu.memory_space<vmem>>) target_semaphore(%arg9 : memref<!tpu.dma_semaphore, #tpu.memory_space<semaphore_mem>>)
    %dma_wait3A_13 = arith.constant 0 : i32
    %dma_wait3A_14 = arith.constant 0 : i32
    %dma_wait3A_15 = tpu.memref_slice %arg2[%add3A, %dma_wait3A_13, %dma_wait3A_14] : memref<32x32x320xi32, #tpu.memory_space<hbm>> -> memref<1x32x320xi32, #tpu.memory_space<hbm>>
    %dma_wait3A_16 = tpu.memref_squeeze %dma_wait3A_15 : memref<1x32x320xi32, #tpu.memory_space<hbm>> -> memref<32x320xi32, #tpu.memory_space<hbm>>
    %dma_wait3A_17 = arith.constant 0 : i32
    %dma_wait3A_18 = arith.constant 0 : i32
    %dma_wait3A_19 = tpu.memref_slice %arg2[%add3A, %dma_wait3A_17, %dma_wait3A_18] : memref<32x32x320xi32, #tpu.memory_space<hbm>> -> memref<1x32x320xi32, #tpu.memory_space<hbm>>
    %dma_wait3A_20 = tpu.memref_squeeze %dma_wait3A_19 : memref<1x32x320xi32, #tpu.memory_space<hbm>> -> memref<32x320xi32, #tpu.memory_space<hbm>>
    tpu.wait_dma2 semaphore(%arg9 : memref<!tpu.dma_semaphore, #tpu.memory_space<semaphore_mem>>) src(%dma_wait3A_20 : memref<32x320xi32, #tpu.memory_space<hbm>>) dst(%arg6 : memref<32x320xi32, #tpu.memory_space<vmem>>)
    %barrier3A = arith.constant 0 : index
    tpu.barrier barrier_id(%barrier3A)
    %scan3A = arith.constant 0 : i32
    %scan3A_21 = arith.constant 32 : i32
    %scan3A_22 = arith.addi %scan3A, %scan3A_21 : i32
    %scan3A_23 = arith.constant 1 : i32
    scf.for %scan3A_38 = %scan3A to %scan3A_22 step %scan3A_23  : i32 {
      %mul3A_39 = arith.constant 1 : i32
      %mul3A_40 = arith.muli %scan3A_38, %mul3A_39 : i32
      %add3A_41 = arith.constant 0 : i32
      %add3A_42 = arith.addi %add3A_41, %mul3A_40 : i32
      "tpu.region"() ({
        %run_scoped3A = tpu.sem_alloc : memref<!tpu.dma_semaphore, #tpu.memory_space<semaphore_mem>>
        %dma_start3A_43 = arith.constant 0 : i32
        %dma_start3A_44 = tpu.memref_slice %arg6[%add3A_42, %dma_start3A_43] : memref<32x320xi32, #tpu.memory_space<vmem>> -> memref<1x320xi32, #tpu.memory_space<vmem>>
        %dma_start3A_45 = tpu.memref_squeeze %dma_start3A_44 : memref<1x320xi32, #tpu.memory_space<vmem>> -> memref<320xi32, #tpu.memory_space<vmem>>
        %dma_start3A_46 = arith.constant 0 : i32
        %dma_start3A_47 = arith.constant 0 : i32
        %dma_start3A_48 = tpu.memref_slice %arg8[%dma_start3A_46, %dma_start3A_47] : memref<10240x16xf32, #tpu.memory_space<vmem_shared>> -> memref<10240x16xf32, #tpu.memory_space<vmem_shared>>
        tpu.enqueue_indirect_dma source(%arg7 : memref<320x16xf32, #tpu.memory_space<vmem>>) target(%dma_start3A_48 : memref<10240x16xf32, #tpu.memory_space<vmem_shared>>) offsets(%dma_start3A_45 : memref<320xi32, #tpu.memory_space<vmem>>) semaphore(%run_scoped3A : memref<!tpu.dma_semaphore, #tpu.memory_space<semaphore_mem>>) {add = true}
        %dma_wait3A_49 = arith.constant 0 : i32
        %dma_wait3A_50 = tpu.memref_slice %arg6[%add3A_42, %dma_wait3A_49] : memref<32x320xi32, #tpu.memory_space<vmem>> -> memref<1x320xi32, #tpu.memory_space<vmem>>
        %dma_wait3A_51 = tpu.memref_squeeze %dma_wait3A_50 : memref<1x320xi32, #tpu.memory_space<vmem>> -> memref<320xi32, #tpu.memory_space<vmem>>
        %dma_wait3A_52 = arith.constant 0 : i32
        %dma_wait3A_53 = arith.constant 0 : i32
        %dma_wait3A_54 = tpu.memref_slice %arg8[%dma_wait3A_52, %dma_wait3A_53] : memref<10240x16xf32, #tpu.memory_space<vmem_shared>> -> memref<10240x16xf32, #tpu.memory_space<vmem_shared>>
        tpu.wait_indirect_dma semaphore(%run_scoped3A : memref<!tpu.dma_semaphore, #tpu.memory_space<semaphore_mem>>) src(%arg7 : memref<320x16xf32, #tpu.memory_space<vmem>>) dst(%dma_wait3A_54 : memref<10240x16xf32, #tpu.memory_space<vmem_shared>>)
        tpu.yield
      }) : () -> ()
    }
    %scan3A_24 = arith.constant 32 : i32
    %barrier3A_25 = arith.constant 0 : index
    tpu.barrier barrier_id(%barrier3A_25)
    %mul3A_26 = arith.constant 640 : i32
    %mul3A_27 = arith.muli %arg1, %mul3A_26 : i32
    %mul3A_28 = arith.constant 640 : i32
    %mul3A_29 = arith.muli %arg1, %mul3A_28 : i32
    %mul3A_30 = arith.constant 16 : i32
    %mul3A_31 = arith.muli %arg0, %mul3A_30 : i32
    %dma_start3A_32 = tpu.memref_slice %arg5[%mul3A_29, %mul3A_31] : memref<10240x128xf32, #tpu.memory_space<hbm>> -> memref<640x16xf32, #tpu.memory_space<hbm>>
    %dma_start3A_33 = arith.constant 0 : i32
    %dma_start3A_34 = tpu.memref_slice %arg8[%mul3A_27, %dma_start3A_33] : memref<10240x16xf32, #tpu.memory_space<vmem_shared>> -> memref<640x16xf32, #tpu.memory_space<vmem_shared>>
    tpu.enqueue_dma source(%dma_start3A_34 : memref<640x16xf32, #tpu.memory_space<vmem_shared>>) target(%dma_start3A_32 : memref<640x16xf32, #tpu.memory_space<hbm>>) target_semaphore(%arg9 : memref<!tpu.dma_semaphore, #tpu.memory_space<semaphore_mem>>)
    %dma_wait3A_35 = tpu.memref_slice %arg5[%mul3A_29, %mul3A_31] : memref<10240x128xf32, #tpu.memory_space<hbm>> -> memref<640x16xf32, #tpu.memory_space<hbm>>
    %dma_wait3A_36 = arith.constant 0 : i32
    %dma_wait3A_37 = tpu.memref_slice %arg8[%mul3A_27, %dma_wait3A_36] : memref<10240x16xf32, #tpu.memory_space<vmem_shared>> -> memref<640x16xf32, #tpu.memory_space<vmem_shared>>
    tpu.wait_dma2 semaphore(%arg9 : memref<!tpu.dma_semaphore, #tpu.memory_space<semaphore_mem>>) src(%dma_wait3A_37 : memref<640x16xf32, #tpu.memory_space<vmem_shared>>) dst(%dma_wait3A_35 : memref<640x16xf32, #tpu.memory_space<hbm>>)
    return
  }
}

#map = affine_map<(d0, d1) -> (0, 0)>
#map1 = affine_map<(d0, d1) -> (0, 0, 0)>
module attributes {stable_mosaic.version = 14 : i64} {
  func.func @k(%arg0: i32, %arg1: i32, %arg2: memref<20000x64xf32, #tpu.memory_space<hbm>>, %arg3: memref<16x64x320xi32, #tpu.memory_space<hbm>>, %arg4: memref<16x64x320xi32, #tpu.memory_space<hbm>>, %arg5: memref<16x64x320xi32, #tpu.memory_space<hbm>>, %arg6: memref<640x64xf32, #tpu.memory_space<hbm>>, %arg7: memref<10240x128xf32, #tpu.memory_space<hbm>>, %arg8: memref<64x320xi32, #tpu.memory_space<vmem>>, %arg9: memref<64x320xi32, #tpu.memory_space<vmem>>, %arg10: memref<320x64xf32, #tpu.memory_space<vmem>>, %arg11: memref<320x64xf32, #tpu.memory_space<vmem>>, %arg12: memref<10240x64xf32, #tpu.memory_space<vmem_shared>>, %arg13: memref<!tpu.dma_semaphore, #tpu.memory_space<semaphore_mem>>, %arg14: memref<!tpu.dma_semaphore, #tpu.memory_space<semaphore_mem>>, %arg15: memref<!tpu.dma_semaphore, #tpu.memory_space<semaphore_mem>>) attributes {dimension_semantics = [#tpu.dimension_semantics<core_parallel>, #tpu.dimension_semantics<subcore_parallel>], iteration_bounds = array<i64: 2, 16>, scalar_prefetch = 0 : i64, scratch_operands = 8 : i64, tpu.core_type = #tpu.core_type<sc_vector_subcore>, window_params = [{transform_indices = #map}, {transform_indices = #map1}, {transform_indices = #map1}, {transform_indices = #map1}, {transform_indices = #map}, {transform_indices = #map}]} {
    %mul3A = arith.constant 640 : i32
    %mul3A_0 = arith.muli %arg1, %mul3A : i32
    %dma_start3A = arith.constant 0 : i32
    %dma_start3A_1 = tpu.memref_slice %arg12[%mul3A_0, %dma_start3A] : memref<10240x64xf32, #tpu.memory_space<vmem_shared>> -> memref<640x64xf32, #tpu.memory_space<vmem_shared>>
    tpu.enqueue_dma source(%arg6 : memref<640x64xf32, #tpu.memory_space<hbm>>) target(%dma_start3A_1 : memref<640x64xf32, #tpu.memory_space<vmem_shared>>) target_semaphore(%arg15 : memref<!tpu.dma_semaphore, #tpu.memory_space<semaphore_mem>>)
    %dma_wait3A = arith.constant 0 : i32
    %dma_wait3A_2 = tpu.memref_slice %arg12[%mul3A_0, %dma_wait3A] : memref<10240x64xf32, #tpu.memory_space<vmem_shared>> -> memref<640x64xf32, #tpu.memory_space<vmem_shared>>
    tpu.wait_dma2 semaphore(%arg15 : memref<!tpu.dma_semaphore, #tpu.memory_space<semaphore_mem>>) src(%arg6 : memref<640x64xf32, #tpu.memory_space<hbm>>) dst(%dma_wait3A_2 : memref<640x64xf32, #tpu.memory_space<vmem_shared>>)
    %dma_start3A_3 = arith.constant 0 : i32
    %dma_start3A_4 = arith.constant 0 : i32
    %dma_start3A_5 = tpu.memref_slice %arg5[%arg1, %dma_start3A_3, %dma_start3A_4] : memref<16x64x320xi32, #tpu.memory_space<hbm>> -> memref<1x64x320xi32, #tpu.memory_space<hbm>>
    %dma_start3A_6 = tpu.memref_squeeze %dma_start3A_5 : memref<1x64x320xi32, #tpu.memory_space<hbm>> -> memref<64x320xi32, #tpu.memory_space<hbm>>
    %dma_start3A_7 = arith.constant 0 : i32
    %dma_start3A_8 = arith.constant 0 : i32
    %dma_start3A_9 = tpu.memref_slice %arg5[%arg1, %dma_start3A_7, %dma_start3A_8] : memref<16x64x320xi32, #tpu.memory_space<hbm>> -> memref<1x64x320xi32, #tpu.memory_space<hbm>>
    %dma_start3A_10 = tpu.memref_squeeze %dma_start3A_9 : memref<1x64x320xi32, #tpu.memory_space<hbm>> -> memref<64x320xi32, #tpu.memory_space<hbm>>
    tpu.enqueue_dma source(%dma_start3A_10 : memref<64x320xi32, #tpu.memory_space<hbm>>) target(%arg9 : memref<64x320xi32, #tpu.memory_space<vmem>>) target_semaphore(%arg14 : memref<!tpu.dma_semaphore, #tpu.memory_space<semaphore_mem>>)
    %dma_wait3A_11 = arith.constant 0 : i32
    %dma_wait3A_12 = arith.constant 0 : i32
    %dma_wait3A_13 = tpu.memref_slice %arg5[%arg1, %dma_wait3A_11, %dma_wait3A_12] : memref<16x64x320xi32, #tpu.memory_space<hbm>> -> memref<1x64x320xi32, #tpu.memory_space<hbm>>
    %dma_wait3A_14 = tpu.memref_squeeze %dma_wait3A_13 : memref<1x64x320xi32, #tpu.memory_space<hbm>> -> memref<64x320xi32, #tpu.memory_space<hbm>>
    %dma_wait3A_15 = arith.constant 0 : i32
    %dma_wait3A_16 = arith.constant 0 : i32
    %dma_wait3A_17 = tpu.memref_slice %arg5[%arg1, %dma_wait3A_15, %dma_wait3A_16] : memref<16x64x320xi32, #tpu.memory_space<hbm>> -> memref<1x64x320xi32, #tpu.memory_space<hbm>>
    %dma_wait3A_18 = tpu.memref_squeeze %dma_wait3A_17 : memref<1x64x320xi32, #tpu.memory_space<hbm>> -> memref<64x320xi32, #tpu.memory_space<hbm>>
    tpu.wait_dma2 semaphore(%arg14 : memref<!tpu.dma_semaphore, #tpu.memory_space<semaphore_mem>>) src(%dma_wait3A_18 : memref<64x320xi32, #tpu.memory_space<hbm>>) dst(%arg9 : memref<64x320xi32, #tpu.memory_space<vmem>>)
    %eq3A = arith.constant 0 : i32
    %eq3A_19 = arith.cmpi eq, %arg0, %eq3A : i32
    %convert_element_type3A = arith.extui %eq3A_19 : i1 to i32
    %cond3A = arith.constant 0 : i32
    %cond3A_20 = arith.cmpi ne, %convert_element_type3A, %cond3A : i32
    scf.if %cond3A_20 {
      %dma_start3A_50 = arith.constant 0 : i32
      %dma_start3A_51 = arith.constant 0 : i32
      %dma_start3A_52 = tpu.memref_slice %arg3[%arg1, %dma_start3A_50, %dma_start3A_51] : memref<16x64x320xi32, #tpu.memory_space<hbm>> -> memref<1x64x320xi32, #tpu.memory_space<hbm>>
      %dma_start3A_53 = tpu.memref_squeeze %dma_start3A_52 : memref<1x64x320xi32, #tpu.memory_space<hbm>> -> memref<64x320xi32, #tpu.memory_space<hbm>>
      %dma_start3A_54 = arith.constant 0 : i32
      %dma_start3A_55 = arith.constant 0 : i32
      %dma_start3A_56 = tpu.memref_slice %arg3[%arg1, %dma_start3A_54, %dma_start3A_55] : memref<16x64x320xi32, #tpu.memory_space<hbm>> -> memref<1x64x320xi32, #tpu.memory_space<hbm>>
      %dma_start3A_57 = tpu.memref_squeeze %dma_start3A_56 : memref<1x64x320xi32, #tpu.memory_space<hbm>> -> memref<64x320xi32, #tpu.memory_space<hbm>>
      tpu.enqueue_dma source(%dma_start3A_57 : memref<64x320xi32, #tpu.memory_space<hbm>>) target(%arg8 : memref<64x320xi32, #tpu.memory_space<vmem>>) target_semaphore(%arg13 : memref<!tpu.dma_semaphore, #tpu.memory_space<semaphore_mem>>)
      %dma_wait3A_58 = arith.constant 0 : i32
      %dma_wait3A_59 = arith.constant 0 : i32
      %dma_wait3A_60 = tpu.memref_slice %arg3[%arg1, %dma_wait3A_58, %dma_wait3A_59] : memref<16x64x320xi32, #tpu.memory_space<hbm>> -> memref<1x64x320xi32, #tpu.memory_space<hbm>>
      %dma_wait3A_61 = tpu.memref_squeeze %dma_wait3A_60 : memref<1x64x320xi32, #tpu.memory_space<hbm>> -> memref<64x320xi32, #tpu.memory_space<hbm>>
      %dma_wait3A_62 = arith.constant 0 : i32
      %dma_wait3A_63 = arith.constant 0 : i32
      %dma_wait3A_64 = tpu.memref_slice %arg3[%arg1, %dma_wait3A_62, %dma_wait3A_63] : memref<16x64x320xi32, #tpu.memory_space<hbm>> -> memref<1x64x320xi32, #tpu.memory_space<hbm>>
      %dma_wait3A_65 = tpu.memref_squeeze %dma_wait3A_64 : memref<1x64x320xi32, #tpu.memory_space<hbm>> -> memref<64x320xi32, #tpu.memory_space<hbm>>
      tpu.wait_dma2 semaphore(%arg13 : memref<!tpu.dma_semaphore, #tpu.memory_space<semaphore_mem>>) src(%dma_wait3A_65 : memref<64x320xi32, #tpu.memory_space<hbm>>) dst(%arg8 : memref<64x320xi32, #tpu.memory_space<vmem>>)
    } else {
    }
    %eq3A_21 = arith.constant 1 : i32
    %eq3A_22 = arith.cmpi eq, %arg0, %eq3A_21 : i32
    %convert_element_type3A_23 = arith.extui %eq3A_22 : i1 to i32
    %cond3A_24 = arith.constant 0 : i32
    %cond3A_25 = arith.cmpi ne, %convert_element_type3A_23, %cond3A_24 : i32
    scf.if %cond3A_25 {
      %dma_start3A_50 = arith.constant 0 : i32
      %dma_start3A_51 = arith.constant 0 : i32
      %dma_start3A_52 = tpu.memref_slice %arg4[%arg1, %dma_start3A_50, %dma_start3A_51] : memref<16x64x320xi32, #tpu.memory_space<hbm>> -> memref<1x64x320xi32, #tpu.memory_space<hbm>>
      %dma_start3A_53 = tpu.memref_squeeze %dma_start3A_52 : memref<1x64x320xi32, #tpu.memory_space<hbm>> -> memref<64x320xi32, #tpu.memory_space<hbm>>
      %dma_start3A_54 = arith.constant 0 : i32
      %dma_start3A_55 = arith.constant 0 : i32
      %dma_start3A_56 = tpu.memref_slice %arg4[%arg1, %dma_start3A_54, %dma_start3A_55] : memref<16x64x320xi32, #tpu.memory_space<hbm>> -> memref<1x64x320xi32, #tpu.memory_space<hbm>>
      %dma_start3A_57 = tpu.memref_squeeze %dma_start3A_56 : memref<1x64x320xi32, #tpu.memory_space<hbm>> -> memref<64x320xi32, #tpu.memory_space<hbm>>
      tpu.enqueue_dma source(%dma_start3A_57 : memref<64x320xi32, #tpu.memory_space<hbm>>) target(%arg8 : memref<64x320xi32, #tpu.memory_space<vmem>>) target_semaphore(%arg13 : memref<!tpu.dma_semaphore, #tpu.memory_space<semaphore_mem>>)
      %dma_wait3A_58 = arith.constant 0 : i32
      %dma_wait3A_59 = arith.constant 0 : i32
      %dma_wait3A_60 = tpu.memref_slice %arg4[%arg1, %dma_wait3A_58, %dma_wait3A_59] : memref<16x64x320xi32, #tpu.memory_space<hbm>> -> memref<1x64x320xi32, #tpu.memory_space<hbm>>
      %dma_wait3A_61 = tpu.memref_squeeze %dma_wait3A_60 : memref<1x64x320xi32, #tpu.memory_space<hbm>> -> memref<64x320xi32, #tpu.memory_space<hbm>>
      %dma_wait3A_62 = arith.constant 0 : i32
      %dma_wait3A_63 = arith.constant 0 : i32
      %dma_wait3A_64 = tpu.memref_slice %arg4[%arg1, %dma_wait3A_62, %dma_wait3A_63] : memref<16x64x320xi32, #tpu.memory_space<hbm>> -> memref<1x64x320xi32, #tpu.memory_space<hbm>>
      %dma_wait3A_65 = tpu.memref_squeeze %dma_wait3A_64 : memref<1x64x320xi32, #tpu.memory_space<hbm>> -> memref<64x320xi32, #tpu.memory_space<hbm>>
      tpu.wait_dma2 semaphore(%arg13 : memref<!tpu.dma_semaphore, #tpu.memory_space<semaphore_mem>>) src(%dma_wait3A_65 : memref<64x320xi32, #tpu.memory_space<hbm>>) dst(%arg8 : memref<64x320xi32, #tpu.memory_space<vmem>>)
    } else {
    }
    %barrier3A = arith.constant 0 : index
    tpu.barrier barrier_id(%barrier3A)
    %dma_start3A_26 = arith.constant 0 : i32
    %dma_start3A_27 = arith.constant 0 : i32
    %dma_start3A_28 = tpu.memref_slice %arg8[%dma_start3A_26, %dma_start3A_27] : memref<64x320xi32, #tpu.memory_space<vmem>> -> memref<1x320xi32, #tpu.memory_space<vmem>>
    %dma_start3A_29 = tpu.memref_squeeze %dma_start3A_28 : memref<1x320xi32, #tpu.memory_space<vmem>> -> memref<320xi32, #tpu.memory_space<vmem>>
    %dma_start3A_30 = arith.constant 0 : i32
    %dma_start3A_31 = arith.constant 0 : i32
    %dma_start3A_32 = tpu.memref_slice %arg2[%dma_start3A_30, %dma_start3A_31] : memref<20000x64xf32, #tpu.memory_space<hbm>> -> memref<20000x64xf32, #tpu.memory_space<hbm>>
    tpu.enqueue_indirect_dma source(%dma_start3A_32 : memref<20000x64xf32, #tpu.memory_space<hbm>>) target(%arg10 : memref<320x64xf32, #tpu.memory_space<vmem>>) offsets(%dma_start3A_29 : memref<320xi32, #tpu.memory_space<vmem>>) semaphore(%arg13 : memref<!tpu.dma_semaphore, #tpu.memory_space<semaphore_mem>>)
    %scan3A = arith.constant 0 : i32
    %scan3A_33 = arith.constant 32 : i32
    %scan3A_34 = arith.addi %scan3A, %scan3A_33 : i32
    %scan3A_35 = arith.constant 1 : i32
    scf.for %scan3A_50 = %scan3A to %scan3A_34 step %scan3A_35  : i32 {
      %mul3A_51 = arith.constant 2 : i32
      %mul3A_52 = arith.muli %scan3A_50, %mul3A_51 : i32
      %add3A = arith.constant 0 : i32
      %add3A_53 = arith.addi %add3A, %mul3A_52 : i32
      %dma_wait3A_54 = arith.constant 0 : i32
      %dma_wait3A_55 = arith.constant 0 : i32
      %dma_wait3A_56 = tpu.memref_slice %arg8[%dma_wait3A_54, %dma_wait3A_55] : memref<64x320xi32, #tpu.memory_space<vmem>> -> memref<1x320xi32, #tpu.memory_space<vmem>>
      %dma_wait3A_57 = tpu.memref_squeeze %dma_wait3A_56 : memref<1x320xi32, #tpu.memory_space<vmem>> -> memref<320xi32, #tpu.memory_space<vmem>>
      %dma_wait3A_58 = arith.constant 0 : i32
      %dma_wait3A_59 = arith.constant 0 : i32
      %dma_wait3A_60 = tpu.memref_slice %arg2[%dma_wait3A_58, %dma_wait3A_59] : memref<20000x64xf32, #tpu.memory_space<hbm>> -> memref<20000x64xf32, #tpu.memory_space<hbm>>
      tpu.wait_indirect_dma semaphore(%arg13 : memref<!tpu.dma_semaphore, #tpu.memory_space<semaphore_mem>>) src(%dma_wait3A_60 : memref<20000x64xf32, #tpu.memory_space<hbm>>) dst(%arg10 : memref<320x64xf32, #tpu.memory_space<vmem>>)
      %add3A_61 = arith.constant 1 : i32
      %add3A_62 = arith.addi %add3A_53, %add3A_61 : i32
      %dma_start3A_63 = arith.constant 0 : i32
      %dma_start3A_64 = tpu.memref_slice %arg8[%add3A_62, %dma_start3A_63] : memref<64x320xi32, #tpu.memory_space<vmem>> -> memref<1x320xi32, #tpu.memory_space<vmem>>
      %dma_start3A_65 = tpu.memref_squeeze %dma_start3A_64 : memref<1x320xi32, #tpu.memory_space<vmem>> -> memref<320xi32, #tpu.memory_space<vmem>>
      %dma_start3A_66 = arith.constant 0 : i32
      %dma_start3A_67 = arith.constant 0 : i32
      %dma_start3A_68 = tpu.memref_slice %arg2[%dma_start3A_66, %dma_start3A_67] : memref<20000x64xf32, #tpu.memory_space<hbm>> -> memref<20000x64xf32, #tpu.memory_space<hbm>>
      tpu.enqueue_indirect_dma source(%dma_start3A_68 : memref<20000x64xf32, #tpu.memory_space<hbm>>) target(%arg11 : memref<320x64xf32, #tpu.memory_space<vmem>>) offsets(%dma_start3A_65 : memref<320xi32, #tpu.memory_space<vmem>>) semaphore(%arg14 : memref<!tpu.dma_semaphore, #tpu.memory_space<semaphore_mem>>)
      "tpu.region"() ({
        %run_scoped3A = tpu.sem_alloc : memref<!tpu.dma_semaphore, #tpu.memory_space<semaphore_mem>>
        %dma_start3A_84 = arith.constant 0 : i32
        %dma_start3A_85 = tpu.memref_slice %arg9[%add3A_53, %dma_start3A_84] : memref<64x320xi32, #tpu.memory_space<vmem>> -> memref<1x320xi32, #tpu.memory_space<vmem>>
        %dma_start3A_86 = tpu.memref_squeeze %dma_start3A_85 : memref<1x320xi32, #tpu.memory_space<vmem>> -> memref<320xi32, #tpu.memory_space<vmem>>
        %dma_start3A_87 = arith.constant 0 : i32
        %dma_start3A_88 = arith.constant 0 : i32
        %dma_start3A_89 = tpu.memref_slice %arg12[%dma_start3A_87, %dma_start3A_88] : memref<10240x64xf32, #tpu.memory_space<vmem_shared>> -> memref<10240x64xf32, #tpu.memory_space<vmem_shared>>
        tpu.enqueue_indirect_dma source(%arg10 : memref<320x64xf32, #tpu.memory_space<vmem>>) target(%dma_start3A_89 : memref<10240x64xf32, #tpu.memory_space<vmem_shared>>) offsets(%dma_start3A_86 : memref<320xi32, #tpu.memory_space<vmem>>) semaphore(%run_scoped3A : memref<!tpu.dma_semaphore, #tpu.memory_space<semaphore_mem>>) {add = true}
        %dma_wait3A_90 = arith.constant 0 : i32
        %dma_wait3A_91 = tpu.memref_slice %arg9[%add3A_53, %dma_wait3A_90] : memref<64x320xi32, #tpu.memory_space<vmem>> -> memref<1x320xi32, #tpu.memory_space<vmem>>
        %dma_wait3A_92 = tpu.memref_squeeze %dma_wait3A_91 : memref<1x320xi32, #tpu.memory_space<vmem>> -> memref<320xi32, #tpu.memory_space<vmem>>
        %dma_wait3A_93 = arith.constant 0 : i32
        %dma_wait3A_94 = arith.constant 0 : i32
        %dma_wait3A_95 = tpu.memref_slice %arg12[%dma_wait3A_93, %dma_wait3A_94] : memref<10240x64xf32, #tpu.memory_space<vmem_shared>> -> memref<10240x64xf32, #tpu.memory_space<vmem_shared>>
        tpu.wait_indirect_dma semaphore(%run_scoped3A : memref<!tpu.dma_semaphore, #tpu.memory_space<semaphore_mem>>) src(%arg10 : memref<320x64xf32, #tpu.memory_space<vmem>>) dst(%dma_wait3A_95 : memref<10240x64xf32, #tpu.memory_space<vmem_shared>>)
        tpu.yield
      }) : () -> ()
      %dma_wait3A_69 = arith.constant 0 : i32
      %dma_wait3A_70 = arith.constant 0 : i32
      %dma_wait3A_71 = tpu.memref_slice %arg8[%dma_wait3A_69, %dma_wait3A_70] : memref<64x320xi32, #tpu.memory_space<vmem>> -> memref<1x320xi32, #tpu.memory_space<vmem>>
      %dma_wait3A_72 = tpu.memref_squeeze %dma_wait3A_71 : memref<1x320xi32, #tpu.memory_space<vmem>> -> memref<320xi32, #tpu.memory_space<vmem>>
      %dma_wait3A_73 = arith.constant 0 : i32
      %dma_wait3A_74 = arith.constant 0 : i32
      %dma_wait3A_75 = tpu.memref_slice %arg2[%dma_wait3A_73, %dma_wait3A_74] : memref<20000x64xf32, #tpu.memory_space<hbm>> -> memref<20000x64xf32, #tpu.memory_space<hbm>>
      tpu.wait_indirect_dma semaphore(%arg14 : memref<!tpu.dma_semaphore, #tpu.memory_space<semaphore_mem>>) src(%dma_wait3A_75 : memref<20000x64xf32, #tpu.memory_space<hbm>>) dst(%arg11 : memref<320x64xf32, #tpu.memory_space<vmem>>)
      %add3A_76 = arith.constant 2 : i32
      %add3A_77 = arith.addi %add3A_53, %add3A_76 : i32
      %lt3A = arith.constant 64 : i32
      %lt3A_78 = arith.cmpi slt, %add3A_77, %lt3A : i32
      %convert_element_type3A_79 = arith.extui %lt3A_78 : i1 to i32
      %cond3A_80 = arith.constant 0 : i32
      %cond3A_81 = arith.cmpi ne, %convert_element_type3A_79, %cond3A_80 : i32
      scf.if %cond3A_81 {
        %add3A_84 = arith.constant 2 : i32
        %add3A_85 = arith.addi %add3A_53, %add3A_84 : i32
        %dma_start3A_86 = arith.constant 0 : i32
        %dma_start3A_87 = tpu.memref_slice %arg8[%add3A_85, %dma_start3A_86] : memref<64x320xi32, #tpu.memory_space<vmem>> -> memref<1x320xi32, #tpu.memory_space<vmem>>
        %dma_start3A_88 = tpu.memref_squeeze %dma_start3A_87 : memref<1x320xi32, #tpu.memory_space<vmem>> -> memref<320xi32, #tpu.memory_space<vmem>>
        %dma_start3A_89 = arith.constant 0 : i32
        %dma_start3A_90 = arith.constant 0 : i32
        %dma_start3A_91 = tpu.memref_slice %arg2[%dma_start3A_89, %dma_start3A_90] : memref<20000x64xf32, #tpu.memory_space<hbm>> -> memref<20000x64xf32, #tpu.memory_space<hbm>>
        tpu.enqueue_indirect_dma source(%dma_start3A_91 : memref<20000x64xf32, #tpu.memory_space<hbm>>) target(%arg10 : memref<320x64xf32, #tpu.memory_space<vmem>>) offsets(%dma_start3A_88 : memref<320xi32, #tpu.memory_space<vmem>>) semaphore(%arg13 : memref<!tpu.dma_semaphore, #tpu.memory_space<semaphore_mem>>)
      } else {
      }
      %add3A_82 = arith.constant 1 : i32
      %add3A_83 = arith.addi %add3A_53, %add3A_82 : i32
      "tpu.region"() ({
        %run_scoped3A = tpu.sem_alloc : memref<!tpu.dma_semaphore, #tpu.memory_space<semaphore_mem>>
        %dma_start3A_84 = arith.constant 0 : i32
        %dma_start3A_85 = tpu.memref_slice %arg9[%add3A_83, %dma_start3A_84] : memref<64x320xi32, #tpu.memory_space<vmem>> -> memref<1x320xi32, #tpu.memory_space<vmem>>
        %dma_start3A_86 = tpu.memref_squeeze %dma_start3A_85 : memref<1x320xi32, #tpu.memory_space<vmem>> -> memref<320xi32, #tpu.memory_space<vmem>>
        %dma_start3A_87 = arith.constant 0 : i32
        %dma_start3A_88 = arith.constant 0 : i32
        %dma_start3A_89 = tpu.memref_slice %arg12[%dma_start3A_87, %dma_start3A_88] : memref<10240x64xf32, #tpu.memory_space<vmem_shared>> -> memref<10240x64xf32, #tpu.memory_space<vmem_shared>>
        tpu.enqueue_indirect_dma source(%arg11 : memref<320x64xf32, #tpu.memory_space<vmem>>) target(%dma_start3A_89 : memref<10240x64xf32, #tpu.memory_space<vmem_shared>>) offsets(%dma_start3A_86 : memref<320xi32, #tpu.memory_space<vmem>>) semaphore(%run_scoped3A : memref<!tpu.dma_semaphore, #tpu.memory_space<semaphore_mem>>) {add = true}
        %dma_wait3A_90 = arith.constant 0 : i32
        %dma_wait3A_91 = tpu.memref_slice %arg9[%add3A_83, %dma_wait3A_90] : memref<64x320xi32, #tpu.memory_space<vmem>> -> memref<1x320xi32, #tpu.memory_space<vmem>>
        %dma_wait3A_92 = tpu.memref_squeeze %dma_wait3A_91 : memref<1x320xi32, #tpu.memory_space<vmem>> -> memref<320xi32, #tpu.memory_space<vmem>>
        %dma_wait3A_93 = arith.constant 0 : i32
        %dma_wait3A_94 = arith.constant 0 : i32
        %dma_wait3A_95 = tpu.memref_slice %arg12[%dma_wait3A_93, %dma_wait3A_94] : memref<10240x64xf32, #tpu.memory_space<vmem_shared>> -> memref<10240x64xf32, #tpu.memory_space<vmem_shared>>
        tpu.wait_indirect_dma semaphore(%run_scoped3A : memref<!tpu.dma_semaphore, #tpu.memory_space<semaphore_mem>>) src(%arg11 : memref<320x64xf32, #tpu.memory_space<vmem>>) dst(%dma_wait3A_95 : memref<10240x64xf32, #tpu.memory_space<vmem_shared>>)
        tpu.yield
      }) : () -> ()
    }
    %scan3A_36 = arith.constant 32 : i32
    %barrier3A_37 = arith.constant 0 : index
    tpu.barrier barrier_id(%barrier3A_37)
    %mul3A_38 = arith.constant 640 : i32
    %mul3A_39 = arith.muli %arg1, %mul3A_38 : i32
    %mul3A_40 = arith.constant 640 : i32
    %mul3A_41 = arith.muli %arg1, %mul3A_40 : i32
    %mul3A_42 = arith.constant 64 : i32
    %mul3A_43 = arith.muli %arg0, %mul3A_42 : i32
    %dma_start3A_44 = tpu.memref_slice %arg7[%mul3A_41, %mul3A_43] : memref<10240x128xf32, #tpu.memory_space<hbm>> -> memref<640x64xf32, #tpu.memory_space<hbm>>
    %dma_start3A_45 = arith.constant 0 : i32
    %dma_start3A_46 = tpu.memref_slice %arg12[%mul3A_39, %dma_start3A_45] : memref<10240x64xf32, #tpu.memory_space<vmem_shared>> -> memref<640x64xf32, #tpu.memory_space<vmem_shared>>
    tpu.enqueue_dma source(%dma_start3A_46 : memref<640x64xf32, #tpu.memory_space<vmem_shared>>) target(%dma_start3A_44 : memref<640x64xf32, #tpu.memory_space<hbm>>) target_semaphore(%arg15 : memref<!tpu.dma_semaphore, #tpu.memory_space<semaphore_mem>>)
    %dma_wait3A_47 = tpu.memref_slice %arg7[%mul3A_41, %mul3A_43] : memref<10240x128xf32, #tpu.memory_space<hbm>> -> memref<640x64xf32, #tpu.memory_space<hbm>>
    %dma_wait3A_48 = arith.constant 0 : i32
    %dma_wait3A_49 = tpu.memref_slice %arg12[%mul3A_39, %dma_wait3A_48] : memref<10240x64xf32, #tpu.memory_space<vmem_shared>> -> memref<640x64xf32, #tpu.memory_space<vmem_shared>>
    tpu.wait_dma2 semaphore(%arg15 : memref<!tpu.dma_semaphore, #tpu.memory_space<semaphore_mem>>) src(%dma_wait3A_49 : memref<640x64xf32, #tpu.memory_space<vmem_shared>>) dst(%dma_wait3A_47 : memref<640x64xf32, #tpu.memory_space<hbm>>)
    return
  }
}

#map = affine_map<(d0, d1) -> (0, 0)>
#map1 = affine_map<(d0, d1) -> (0, 0, 0)>
module attributes {stable_mosaic.version = 14 : i64} {
  func.func @k(%arg0: i32, %arg1: i32, %arg2: memref<20000x64xf32, #tpu.memory_space<hbm>>, %arg3: memref<16x64x320xi32, #tpu.memory_space<hbm>>, %arg4: memref<16x64x320xi32, #tpu.memory_space<hbm>>, %arg5: memref<16x64x320xi32, #tpu.memory_space<hbm>>, %arg6: memref<640x64xf32, #tpu.memory_space<hbm>>, %arg7: memref<10240x128xf32, #tpu.memory_space<hbm>>, %arg8: memref<64x320xi32, #tpu.memory_space<vmem>>, %arg9: memref<64x320xi32, #tpu.memory_space<vmem>>, %arg10: memref<320x64xf32, #tpu.memory_space<vmem>>, %arg11: memref<320x64xf32, #tpu.memory_space<vmem>>, %arg12: memref<10240x64xf32, #tpu.memory_space<vmem_shared>>, %arg13: memref<!tpu.dma_semaphore, #tpu.memory_space<semaphore_mem>>, %arg14: memref<!tpu.dma_semaphore, #tpu.memory_space<semaphore_mem>>, %arg15: memref<!tpu.dma_semaphore, #tpu.memory_space<semaphore_mem>>) attributes {dimension_semantics = [#tpu.dimension_semantics<core_parallel>, #tpu.dimension_semantics<subcore_parallel>], iteration_bounds = array<i64: 2, 16>, scalar_prefetch = 0 : i64, scratch_operands = 8 : i64, tpu.core_type = #tpu.core_type<sc_vector_subcore>, window_params = [{transform_indices = #map}, {transform_indices = #map1}, {transform_indices = #map1}, {transform_indices = #map1}, {transform_indices = #map}, {transform_indices = #map}]} {
    %mul3A = arith.constant 640 : i32
    %mul3A_0 = arith.muli %arg1, %mul3A : i32
    %dma_start3A = arith.constant 0 : i32
    %dma_start3A_1 = tpu.memref_slice %arg12[%mul3A_0, %dma_start3A] : memref<10240x64xf32, #tpu.memory_space<vmem_shared>> -> memref<640x64xf32, #tpu.memory_space<vmem_shared>>
    tpu.enqueue_dma source(%arg6 : memref<640x64xf32, #tpu.memory_space<hbm>>) target(%dma_start3A_1 : memref<640x64xf32, #tpu.memory_space<vmem_shared>>) target_semaphore(%arg15 : memref<!tpu.dma_semaphore, #tpu.memory_space<semaphore_mem>>)
    %dma_wait3A = arith.constant 0 : i32
    %dma_wait3A_2 = tpu.memref_slice %arg12[%mul3A_0, %dma_wait3A] : memref<10240x64xf32, #tpu.memory_space<vmem_shared>> -> memref<640x64xf32, #tpu.memory_space<vmem_shared>>
    tpu.wait_dma2 semaphore(%arg15 : memref<!tpu.dma_semaphore, #tpu.memory_space<semaphore_mem>>) src(%arg6 : memref<640x64xf32, #tpu.memory_space<hbm>>) dst(%dma_wait3A_2 : memref<640x64xf32, #tpu.memory_space<vmem_shared>>)
    %dma_start3A_3 = arith.constant 0 : i32
    %dma_start3A_4 = arith.constant 0 : i32
    %dma_start3A_5 = tpu.memref_slice %arg5[%arg1, %dma_start3A_3, %dma_start3A_4] : memref<16x64x320xi32, #tpu.memory_space<hbm>> -> memref<1x64x320xi32, #tpu.memory_space<hbm>>
    %dma_start3A_6 = tpu.memref_squeeze %dma_start3A_5 : memref<1x64x320xi32, #tpu.memory_space<hbm>> -> memref<64x320xi32, #tpu.memory_space<hbm>>
    %dma_start3A_7 = arith.constant 0 : i32
    %dma_start3A_8 = arith.constant 0 : i32
    %dma_start3A_9 = tpu.memref_slice %arg5[%arg1, %dma_start3A_7, %dma_start3A_8] : memref<16x64x320xi32, #tpu.memory_space<hbm>> -> memref<1x64x320xi32, #tpu.memory_space<hbm>>
    %dma_start3A_10 = tpu.memref_squeeze %dma_start3A_9 : memref<1x64x320xi32, #tpu.memory_space<hbm>> -> memref<64x320xi32, #tpu.memory_space<hbm>>
    tpu.enqueue_dma source(%dma_start3A_10 : memref<64x320xi32, #tpu.memory_space<hbm>>) target(%arg9 : memref<64x320xi32, #tpu.memory_space<vmem>>) target_semaphore(%arg14 : memref<!tpu.dma_semaphore, #tpu.memory_space<semaphore_mem>>)
    %dma_wait3A_11 = arith.constant 0 : i32
    %dma_wait3A_12 = arith.constant 0 : i32
    %dma_wait3A_13 = tpu.memref_slice %arg5[%arg1, %dma_wait3A_11, %dma_wait3A_12] : memref<16x64x320xi32, #tpu.memory_space<hbm>> -> memref<1x64x320xi32, #tpu.memory_space<hbm>>
    %dma_wait3A_14 = tpu.memref_squeeze %dma_wait3A_13 : memref<1x64x320xi32, #tpu.memory_space<hbm>> -> memref<64x320xi32, #tpu.memory_space<hbm>>
    %dma_wait3A_15 = arith.constant 0 : i32
    %dma_wait3A_16 = arith.constant 0 : i32
    %dma_wait3A_17 = tpu.memref_slice %arg5[%arg1, %dma_wait3A_15, %dma_wait3A_16] : memref<16x64x320xi32, #tpu.memory_space<hbm>> -> memref<1x64x320xi32, #tpu.memory_space<hbm>>
    %dma_wait3A_18 = tpu.memref_squeeze %dma_wait3A_17 : memref<1x64x320xi32, #tpu.memory_space<hbm>> -> memref<64x320xi32, #tpu.memory_space<hbm>>
    tpu.wait_dma2 semaphore(%arg14 : memref<!tpu.dma_semaphore, #tpu.memory_space<semaphore_mem>>) src(%dma_wait3A_18 : memref<64x320xi32, #tpu.memory_space<hbm>>) dst(%arg9 : memref<64x320xi32, #tpu.memory_space<vmem>>)
    %eq3A = arith.constant 0 : i32
    %eq3A_19 = arith.cmpi eq, %arg0, %eq3A : i32
    %convert_element_type3A = arith.extui %eq3A_19 : i1 to i32
    %cond3A = arith.constant 0 : i32
    %cond3A_20 = arith.cmpi ne, %convert_element_type3A, %cond3A : i32
    scf.if %cond3A_20 {
      %dma_start3A_50 = arith.constant 0 : i32
      %dma_start3A_51 = arith.constant 0 : i32
      %dma_start3A_52 = tpu.memref_slice %arg3[%arg1, %dma_start3A_50, %dma_start3A_51] : memref<16x64x320xi32, #tpu.memory_space<hbm>> -> memref<1x64x320xi32, #tpu.memory_space<hbm>>
      %dma_start3A_53 = tpu.memref_squeeze %dma_start3A_52 : memref<1x64x320xi32, #tpu.memory_space<hbm>> -> memref<64x320xi32, #tpu.memory_space<hbm>>
      %dma_start3A_54 = arith.constant 0 : i32
      %dma_start3A_55 = arith.constant 0 : i32
      %dma_start3A_56 = tpu.memref_slice %arg3[%arg1, %dma_start3A_54, %dma_start3A_55] : memref<16x64x320xi32, #tpu.memory_space<hbm>> -> memref<1x64x320xi32, #tpu.memory_space<hbm>>
      %dma_start3A_57 = tpu.memref_squeeze %dma_start3A_56 : memref<1x64x320xi32, #tpu.memory_space<hbm>> -> memref<64x320xi32, #tpu.memory_space<hbm>>
      tpu.enqueue_dma source(%dma_start3A_57 : memref<64x320xi32, #tpu.memory_space<hbm>>) target(%arg8 : memref<64x320xi32, #tpu.memory_space<vmem>>) target_semaphore(%arg13 : memref<!tpu.dma_semaphore, #tpu.memory_space<semaphore_mem>>)
      %dma_wait3A_58 = arith.constant 0 : i32
      %dma_wait3A_59 = arith.constant 0 : i32
      %dma_wait3A_60 = tpu.memref_slice %arg3[%arg1, %dma_wait3A_58, %dma_wait3A_59] : memref<16x64x320xi32, #tpu.memory_space<hbm>> -> memref<1x64x320xi32, #tpu.memory_space<hbm>>
      %dma_wait3A_61 = tpu.memref_squeeze %dma_wait3A_60 : memref<1x64x320xi32, #tpu.memory_space<hbm>> -> memref<64x320xi32, #tpu.memory_space<hbm>>
      %dma_wait3A_62 = arith.constant 0 : i32
      %dma_wait3A_63 = arith.constant 0 : i32
      %dma_wait3A_64 = tpu.memref_slice %arg3[%arg1, %dma_wait3A_62, %dma_wait3A_63] : memref<16x64x320xi32, #tpu.memory_space<hbm>> -> memref<1x64x320xi32, #tpu.memory_space<hbm>>
      %dma_wait3A_65 = tpu.memref_squeeze %dma_wait3A_64 : memref<1x64x320xi32, #tpu.memory_space<hbm>> -> memref<64x320xi32, #tpu.memory_space<hbm>>
      tpu.wait_dma2 semaphore(%arg13 : memref<!tpu.dma_semaphore, #tpu.memory_space<semaphore_mem>>) src(%dma_wait3A_65 : memref<64x320xi32, #tpu.memory_space<hbm>>) dst(%arg8 : memref<64x320xi32, #tpu.memory_space<vmem>>)
    } else {
    }
    %eq3A_21 = arith.constant 1 : i32
    %eq3A_22 = arith.cmpi eq, %arg0, %eq3A_21 : i32
    %convert_element_type3A_23 = arith.extui %eq3A_22 : i1 to i32
    %cond3A_24 = arith.constant 0 : i32
    %cond3A_25 = arith.cmpi ne, %convert_element_type3A_23, %cond3A_24 : i32
    scf.if %cond3A_25 {
      %dma_start3A_50 = arith.constant 0 : i32
      %dma_start3A_51 = arith.constant 0 : i32
      %dma_start3A_52 = tpu.memref_slice %arg4[%arg1, %dma_start3A_50, %dma_start3A_51] : memref<16x64x320xi32, #tpu.memory_space<hbm>> -> memref<1x64x320xi32, #tpu.memory_space<hbm>>
      %dma_start3A_53 = tpu.memref_squeeze %dma_start3A_52 : memref<1x64x320xi32, #tpu.memory_space<hbm>> -> memref<64x320xi32, #tpu.memory_space<hbm>>
      %dma_start3A_54 = arith.constant 0 : i32
      %dma_start3A_55 = arith.constant 0 : i32
      %dma_start3A_56 = tpu.memref_slice %arg4[%arg1, %dma_start3A_54, %dma_start3A_55] : memref<16x64x320xi32, #tpu.memory_space<hbm>> -> memref<1x64x320xi32, #tpu.memory_space<hbm>>
      %dma_start3A_57 = tpu.memref_squeeze %dma_start3A_56 : memref<1x64x320xi32, #tpu.memory_space<hbm>> -> memref<64x320xi32, #tpu.memory_space<hbm>>
      tpu.enqueue_dma source(%dma_start3A_57 : memref<64x320xi32, #tpu.memory_space<hbm>>) target(%arg8 : memref<64x320xi32, #tpu.memory_space<vmem>>) target_semaphore(%arg13 : memref<!tpu.dma_semaphore, #tpu.memory_space<semaphore_mem>>)
      %dma_wait3A_58 = arith.constant 0 : i32
      %dma_wait3A_59 = arith.constant 0 : i32
      %dma_wait3A_60 = tpu.memref_slice %arg4[%arg1, %dma_wait3A_58, %dma_wait3A_59] : memref<16x64x320xi32, #tpu.memory_space<hbm>> -> memref<1x64x320xi32, #tpu.memory_space<hbm>>
      %dma_wait3A_61 = tpu.memref_squeeze %dma_wait3A_60 : memref<1x64x320xi32, #tpu.memory_space<hbm>> -> memref<64x320xi32, #tpu.memory_space<hbm>>
      %dma_wait3A_62 = arith.constant 0 : i32
      %dma_wait3A_63 = arith.constant 0 : i32
      %dma_wait3A_64 = tpu.memref_slice %arg4[%arg1, %dma_wait3A_62, %dma_wait3A_63] : memref<16x64x320xi32, #tpu.memory_space<hbm>> -> memref<1x64x320xi32, #tpu.memory_space<hbm>>
      %dma_wait3A_65 = tpu.memref_squeeze %dma_wait3A_64 : memref<1x64x320xi32, #tpu.memory_space<hbm>> -> memref<64x320xi32, #tpu.memory_space<hbm>>
      tpu.wait_dma2 semaphore(%arg13 : memref<!tpu.dma_semaphore, #tpu.memory_space<semaphore_mem>>) src(%dma_wait3A_65 : memref<64x320xi32, #tpu.memory_space<hbm>>) dst(%arg8 : memref<64x320xi32, #tpu.memory_space<vmem>>)
    } else {
    }
    %barrier3A = arith.constant 0 : index
    tpu.barrier barrier_id(%barrier3A)
    %dma_start3A_26 = arith.constant 0 : i32
    %dma_start3A_27 = arith.constant 0 : i32
    %dma_start3A_28 = tpu.memref_slice %arg8[%dma_start3A_26, %dma_start3A_27] : memref<64x320xi32, #tpu.memory_space<vmem>> -> memref<1x320xi32, #tpu.memory_space<vmem>>
    %dma_start3A_29 = tpu.memref_squeeze %dma_start3A_28 : memref<1x320xi32, #tpu.memory_space<vmem>> -> memref<320xi32, #tpu.memory_space<vmem>>
    %dma_start3A_30 = arith.constant 0 : i32
    %dma_start3A_31 = arith.constant 0 : i32
    %dma_start3A_32 = tpu.memref_slice %arg2[%dma_start3A_30, %dma_start3A_31] : memref<20000x64xf32, #tpu.memory_space<hbm>> -> memref<20000x64xf32, #tpu.memory_space<hbm>>
    tpu.enqueue_indirect_dma source(%dma_start3A_32 : memref<20000x64xf32, #tpu.memory_space<hbm>>) target(%arg10 : memref<320x64xf32, #tpu.memory_space<vmem>>) offsets(%dma_start3A_29 : memref<320xi32, #tpu.memory_space<vmem>>) semaphore(%arg13 : memref<!tpu.dma_semaphore, #tpu.memory_space<semaphore_mem>>)
    %scan3A = arith.constant 0 : i32
    %scan3A_33 = arith.constant 32 : i32
    %scan3A_34 = arith.addi %scan3A, %scan3A_33 : i32
    %scan3A_35 = arith.constant 1 : i32
    scf.for %scan3A_50 = %scan3A to %scan3A_34 step %scan3A_35  : i32 {
      %mul3A_51 = arith.constant 2 : i32
      %mul3A_52 = arith.muli %scan3A_50, %mul3A_51 : i32
      %add3A = arith.constant 0 : i32
      %add3A_53 = arith.addi %add3A, %mul3A_52 : i32
      %dma_wait3A_54 = arith.constant 0 : i32
      %dma_wait3A_55 = arith.constant 0 : i32
      %dma_wait3A_56 = tpu.memref_slice %arg8[%dma_wait3A_54, %dma_wait3A_55] : memref<64x320xi32, #tpu.memory_space<vmem>> -> memref<1x320xi32, #tpu.memory_space<vmem>>
      %dma_wait3A_57 = tpu.memref_squeeze %dma_wait3A_56 : memref<1x320xi32, #tpu.memory_space<vmem>> -> memref<320xi32, #tpu.memory_space<vmem>>
      %dma_wait3A_58 = arith.constant 0 : i32
      %dma_wait3A_59 = arith.constant 0 : i32
      %dma_wait3A_60 = tpu.memref_slice %arg2[%dma_wait3A_58, %dma_wait3A_59] : memref<20000x64xf32, #tpu.memory_space<hbm>> -> memref<20000x64xf32, #tpu.memory_space<hbm>>
      tpu.wait_indirect_dma semaphore(%arg13 : memref<!tpu.dma_semaphore, #tpu.memory_space<semaphore_mem>>) src(%dma_wait3A_60 : memref<20000x64xf32, #tpu.memory_space<hbm>>) dst(%arg10 : memref<320x64xf32, #tpu.memory_space<vmem>>)
      %add3A_61 = arith.constant 1 : i32
      %add3A_62 = arith.addi %add3A_53, %add3A_61 : i32
      %dma_start3A_63 = arith.constant 0 : i32
      %dma_start3A_64 = tpu.memref_slice %arg8[%add3A_62, %dma_start3A_63] : memref<64x320xi32, #tpu.memory_space<vmem>> -> memref<1x320xi32, #tpu.memory_space<vmem>>
      %dma_start3A_65 = tpu.memref_squeeze %dma_start3A_64 : memref<1x320xi32, #tpu.memory_space<vmem>> -> memref<320xi32, #tpu.memory_space<vmem>>
      %dma_start3A_66 = arith.constant 0 : i32
      %dma_start3A_67 = arith.constant 0 : i32
      %dma_start3A_68 = tpu.memref_slice %arg2[%dma_start3A_66, %dma_start3A_67] : memref<20000x64xf32, #tpu.memory_space<hbm>> -> memref<20000x64xf32, #tpu.memory_space<hbm>>
      tpu.enqueue_indirect_dma source(%dma_start3A_68 : memref<20000x64xf32, #tpu.memory_space<hbm>>) target(%arg11 : memref<320x64xf32, #tpu.memory_space<vmem>>) offsets(%dma_start3A_65 : memref<320xi32, #tpu.memory_space<vmem>>) semaphore(%arg14 : memref<!tpu.dma_semaphore, #tpu.memory_space<semaphore_mem>>)
      "tpu.region"() ({
        %run_scoped3A = tpu.sem_alloc : memref<!tpu.dma_semaphore, #tpu.memory_space<semaphore_mem>>
        %dma_start3A_84 = arith.constant 0 : i32
        %dma_start3A_85 = tpu.memref_slice %arg9[%add3A_53, %dma_start3A_84] : memref<64x320xi32, #tpu.memory_space<vmem>> -> memref<1x320xi32, #tpu.memory_space<vmem>>
        %dma_start3A_86 = tpu.memref_squeeze %dma_start3A_85 : memref<1x320xi32, #tpu.memory_space<vmem>> -> memref<320xi32, #tpu.memory_space<vmem>>
        %dma_start3A_87 = arith.constant 0 : i32
        %dma_start3A_88 = arith.constant 0 : i32
        %dma_start3A_89 = tpu.memref_slice %arg12[%dma_start3A_87, %dma_start3A_88] : memref<10240x64xf32, #tpu.memory_space<vmem_shared>> -> memref<10240x64xf32, #tpu.memory_space<vmem_shared>>
        tpu.enqueue_indirect_dma source(%arg10 : memref<320x64xf32, #tpu.memory_space<vmem>>) target(%dma_start3A_89 : memref<10240x64xf32, #tpu.memory_space<vmem_shared>>) offsets(%dma_start3A_86 : memref<320xi32, #tpu.memory_space<vmem>>) semaphore(%run_scoped3A : memref<!tpu.dma_semaphore, #tpu.memory_space<semaphore_mem>>) {add = true}
        %dma_wait3A_90 = arith.constant 0 : i32
        %dma_wait3A_91 = tpu.memref_slice %arg9[%add3A_53, %dma_wait3A_90] : memref<64x320xi32, #tpu.memory_space<vmem>> -> memref<1x320xi32, #tpu.memory_space<vmem>>
        %dma_wait3A_92 = tpu.memref_squeeze %dma_wait3A_91 : memref<1x320xi32, #tpu.memory_space<vmem>> -> memref<320xi32, #tpu.memory_space<vmem>>
        %dma_wait3A_93 = arith.constant 0 : i32
        %dma_wait3A_94 = arith.constant 0 : i32
        %dma_wait3A_95 = tpu.memref_slice %arg12[%dma_wait3A_93, %dma_wait3A_94] : memref<10240x64xf32, #tpu.memory_space<vmem_shared>> -> memref<10240x64xf32, #tpu.memory_space<vmem_shared>>
        tpu.wait_indirect_dma semaphore(%run_scoped3A : memref<!tpu.dma_semaphore, #tpu.memory_space<semaphore_mem>>) src(%arg10 : memref<320x64xf32, #tpu.memory_space<vmem>>) dst(%dma_wait3A_95 : memref<10240x64xf32, #tpu.memory_space<vmem_shared>>)
        tpu.yield
      }) : () -> ()
      %dma_wait3A_69 = arith.constant 0 : i32
      %dma_wait3A_70 = arith.constant 0 : i32
      %dma_wait3A_71 = tpu.memref_slice %arg8[%dma_wait3A_69, %dma_wait3A_70] : memref<64x320xi32, #tpu.memory_space<vmem>> -> memref<1x320xi32, #tpu.memory_space<vmem>>
      %dma_wait3A_72 = tpu.memref_squeeze %dma_wait3A_71 : memref<1x320xi32, #tpu.memory_space<vmem>> -> memref<320xi32, #tpu.memory_space<vmem>>
      %dma_wait3A_73 = arith.constant 0 : i32
      %dma_wait3A_74 = arith.constant 0 : i32
      %dma_wait3A_75 = tpu.memref_slice %arg2[%dma_wait3A_73, %dma_wait3A_74] : memref<20000x64xf32, #tpu.memory_space<hbm>> -> memref<20000x64xf32, #tpu.memory_space<hbm>>
      tpu.wait_indirect_dma semaphore(%arg14 : memref<!tpu.dma_semaphore, #tpu.memory_space<semaphore_mem>>) src(%dma_wait3A_75 : memref<20000x64xf32, #tpu.memory_space<hbm>>) dst(%arg11 : memref<320x64xf32, #tpu.memory_space<vmem>>)
      %add3A_76 = arith.constant 2 : i32
      %add3A_77 = arith.addi %add3A_53, %add3A_76 : i32
      %lt3A = arith.constant 64 : i32
      %lt3A_78 = arith.cmpi slt, %add3A_77, %lt3A : i32
      %convert_element_type3A_79 = arith.extui %lt3A_78 : i1 to i32
      %cond3A_80 = arith.constant 0 : i32
      %cond3A_81 = arith.cmpi ne, %convert_element_type3A_79, %cond3A_80 : i32
      scf.if %cond3A_81 {
        %add3A_84 = arith.constant 2 : i32
        %add3A_85 = arith.addi %add3A_53, %add3A_84 : i32
        %dma_start3A_86 = arith.constant 0 : i32
        %dma_start3A_87 = tpu.memref_slice %arg8[%add3A_85, %dma_start3A_86] : memref<64x320xi32, #tpu.memory_space<vmem>> -> memref<1x320xi32, #tpu.memory_space<vmem>>
        %dma_start3A_88 = tpu.memref_squeeze %dma_start3A_87 : memref<1x320xi32, #tpu.memory_space<vmem>> -> memref<320xi32, #tpu.memory_space<vmem>>
        %dma_start3A_89 = arith.constant 0 : i32
        %dma_start3A_90 = arith.constant 0 : i32
        %dma_start3A_91 = tpu.memref_slice %arg2[%dma_start3A_89, %dma_start3A_90] : memref<20000x64xf32, #tpu.memory_space<hbm>> -> memref<20000x64xf32, #tpu.memory_space<hbm>>
        tpu.enqueue_indirect_dma source(%dma_start3A_91 : memref<20000x64xf32, #tpu.memory_space<hbm>>) target(%arg10 : memref<320x64xf32, #tpu.memory_space<vmem>>) offsets(%dma_start3A_88 : memref<320xi32, #tpu.memory_space<vmem>>) semaphore(%arg13 : memref<!tpu.dma_semaphore, #tpu.memory_space<semaphore_mem>>)
      } else {
      }
      %add3A_82 = arith.constant 1 : i32
      %add3A_83 = arith.addi %add3A_53, %add3A_82 : i32
      "tpu.region"() ({
        %run_scoped3A = tpu.sem_alloc : memref<!tpu.dma_semaphore, #tpu.memory_space<semaphore_mem>>
        %dma_start3A_84 = arith.constant 0 : i32
        %dma_start3A_85 = tpu.memref_slice %arg9[%add3A_83, %dma_start3A_84] : memref<64x320xi32, #tpu.memory_space<vmem>> -> memref<1x320xi32, #tpu.memory_space<vmem>>
        %dma_start3A_86 = tpu.memref_squeeze %dma_start3A_85 : memref<1x320xi32, #tpu.memory_space<vmem>> -> memref<320xi32, #tpu.memory_space<vmem>>
        %dma_start3A_87 = arith.constant 0 : i32
        %dma_start3A_88 = arith.constant 0 : i32
        %dma_start3A_89 = tpu.memref_slice %arg12[%dma_start3A_87, %dma_start3A_88] : memref<10240x64xf32, #tpu.memory_space<vmem_shared>> -> memref<10240x64xf32, #tpu.memory_space<vmem_shared>>
        tpu.enqueue_indirect_dma source(%arg11 : memref<320x64xf32, #tpu.memory_space<vmem>>) target(%dma_start3A_89 : memref<10240x64xf32, #tpu.memory_space<vmem_shared>>) offsets(%dma_start3A_86 : memref<320xi32, #tpu.memory_space<vmem>>) semaphore(%run_scoped3A : memref<!tpu.dma_semaphore, #tpu.memory_space<semaphore_mem>>) {add = true}
        %dma_wait3A_90 = arith.constant 0 : i32
        %dma_wait3A_91 = tpu.memref_slice %arg9[%add3A_83, %dma_wait3A_90] : memref<64x320xi32, #tpu.memory_space<vmem>> -> memref<1x320xi32, #tpu.memory_space<vmem>>
        %dma_wait3A_92 = tpu.memref_squeeze %dma_wait3A_91 : memref<1x320xi32, #tpu.memory_space<vmem>> -> memref<320xi32, #tpu.memory_space<vmem>>
        %dma_wait3A_93 = arith.constant 0 : i32
        %dma_wait3A_94 = arith.constant 0 : i32
        %dma_wait3A_95 = tpu.memref_slice %arg12[%dma_wait3A_93, %dma_wait3A_94] : memref<10240x64xf32, #tpu.memory_space<vmem_shared>> -> memref<10240x64xf32, #tpu.memory_space<vmem_shared>>
        tpu.wait_indirect_dma semaphore(%run_scoped3A : memref<!tpu.dma_semaphore, #tpu.memory_space<semaphore_mem>>) src(%arg11 : memref<320x64xf32, #tpu.memory_space<vmem>>) dst(%dma_wait3A_95 : memref<10240x64xf32, #tpu.memory_space<vmem_shared>>)
        tpu.yield
      }) : () -> ()
    }
    %scan3A_36 = arith.constant 32 : i32
    %barrier3A_37 = arith.constant 0 : index
    tpu.barrier barrier_id(%barrier3A_37)
    %mul3A_38 = arith.constant 640 : i32
    %mul3A_39 = arith.muli %arg1, %mul3A_38 : i32
    %mul3A_40 = arith.constant 640 : i32
    %mul3A_41 = arith.muli %arg1, %mul3A_40 : i32
    %mul3A_42 = arith.constant 64 : i32
    %mul3A_43 = arith.muli %arg0, %mul3A_42 : i32
    %dma_start3A_44 = tpu.memref_slice %arg7[%mul3A_41, %mul3A_43] : memref<10240x128xf32, #tpu.memory_space<hbm>> -> memref<640x64xf32, #tpu.memory_space<hbm>>
    %dma_start3A_45 = arith.constant 0 : i32
    %dma_start3A_46 = tpu.memref_slice %arg12[%mul3A_39, %dma_start3A_45] : memref<10240x64xf32, #tpu.memory_space<vmem_shared>> -> memref<640x64xf32, #tpu.memory_space<vmem_shared>>
    tpu.enqueue_dma source(%dma_start3A_46 : memref<640x64xf32, #tpu.memory_space<vmem_shared>>) target(%dma_start3A_44 : memref<640x64xf32, #tpu.memory_space<hbm>>) target_semaphore(%arg15 : memref<!tpu.dma_semaphore, #tpu.memory_space<semaphore_mem>>)
    %dma_wait3A_47 = tpu.memref_slice %arg7[%mul3A_41, %mul3A_43] : memref<10240x128xf32, #tpu.memory_space<hbm>> -> memref<640x64xf32, #tpu.memory_space<hbm>>
    %dma_wait3A_48 = arith.constant 0 : i32
    %dma_wait3A_49 = tpu.memref_slice %arg12[%mul3A_39, %dma_wait3A_48] : memref<10240x64xf32, #tpu.memory_space<vmem_shared>> -> memref<640x64xf32, #tpu.memory_space<vmem_shared>>
    tpu.wait_dma2 semaphore(%arg15 : memref<!tpu.dma_semaphore, #tpu.memory_space<semaphore_mem>>) src(%dma_wait3A_49 : memref<640x64xf32, #tpu.memory_space<vmem_shared>>) dst(%dma_wait3A_47 : memref<640x64xf32, #tpu.memory_space<hbm>>)
    return
  }
}

module attributes {stable_mosaic.version = 14 : i64} {
  func.func @body(%arg0: i32, %arg1: memref<10000x128xf32, #tpu.memory_space<vmem>>, %arg2: memref<128x128xf32, #tpu.memory_space<vmem>>, %arg3: memref<10240x128xf32, #tpu.memory_space<vmem>>, %arg4: memref<10000x128xf32, #tpu.memory_space<vmem>>) attributes {dimension_semantics = [#tpu.dimension_semantics<arbitrary>], iteration_bounds = array<i64: 1>, scalar_prefetch = 0 : i64, scratch_operands = 0 : i64, tpu.core_type = #tpu.core_type<tc>, window_params = [{transform_indices = @transform_0, window_bounds = array<i64: 10000, 128>}, {pipeline_mode = #tpu.pipeline_mode<synchronous>, transform_indices = @transform_1, window_bounds = array<i64: 128, 128>}, {pipeline_mode = #tpu.pipeline_mode<synchronous>, transform_indices = @transform_2, window_bounds = array<i64: 10240, 128>}, {transform_indices = @transform_3, window_bounds = array<i64: 10000, 128>}]} {
    %get3A = arith.constant 0 : index
    %get3A_0 = arith.constant 0 : index
    %get3A_1 = vector.load %arg3[%get3A, %get3A_0] : memref<10240x128xf32, #tpu.memory_space<vmem>>, vector<10000x1xf32>
    %get3A_2 = arith.constant 0 : index
    %get3A_3 = arith.constant 16 : index
    %get3A_4 = vector.load %arg3[%get3A_2, %get3A_3] : memref<10240x128xf32, #tpu.memory_space<vmem>>, vector<10000x1xf32>
    %add3A = arith.addf %get3A_1, %get3A_4 : vector<10000x1xf32>
    %add3A_5 = arith.constant 1.000000e+00 : f32
    %add3A_6 = vector.broadcast %add3A_5 : f32 to vector<10000x1xf32>
    %add3A_7 = arith.addf %add3A, %add3A_6 : vector<10000x1xf32>
    %rsqrt3A = math.rsqrt %add3A_7 : vector<10000x1xf32>
    %get3A_8 = arith.constant 0 : index
    %get3A_9 = arith.constant 0 : index
    %get3A_10 = vector.load %arg1[%get3A_8, %get3A_9] : memref<10000x128xf32, #tpu.memory_space<vmem>>, vector<10000x128xf32>
    %get3A_11 = arith.constant 0 : index
    %get3A_12 = arith.constant 0 : index
    %get3A_13 = vector.load %arg2[%get3A_11, %get3A_12] : memref<128x128xf32, #tpu.memory_space<vmem>>, vector<128x128xf32>
    %dot_general3A = arith.constant dense<0.000000e+00> : vector<10000x128xf32>
    %dot_general3A_14 = tpu.matmul %get3A_10, %get3A_13, %dot_general3A {dimension_numbers = #tpu.dot_dimension_numbers<[1], [0], [0], [1], [0, 0, 1, 1], [], []>, transpose_lhs_hint = false} : vector<10000x128xf32>, vector<128x128xf32>, vector<10000x128xf32> -> vector<10000x128xf32>
    %mul3A = vector.broadcast %rsqrt3A : vector<10000x1xf32> to vector<10000x128xf32>
    %mul3A_15 = arith.mulf %dot_general3A_14, %mul3A : vector<10000x128xf32>
    %swap3A = arith.constant 0 : index
    %swap3A_16 = arith.constant 0 : index
    %swap3A_17 = vector.load %arg4[%swap3A, %swap3A_16] : memref<10000x128xf32, #tpu.memory_space<vmem>>, vector<10000x128xf32>
    tpu.vector_store %arg4[%swap3A, %swap3A_16], %mul3A_15 {strides = array<i32>} : memref<10000x128xf32, #tpu.memory_space<vmem>>, vector<10000x128xf32>,
    return
  }
  func.func @transform_0(%arg0: i32) -> (i32, i32) {
    %c0_i32 = arith.constant 0 : i32
    %c0_i32_0 = arith.constant 0 : i32
    return %arg0, %c0_i32 : i32, i32
  }
  func.func @transform_1(%arg0: i32) -> (i32, i32) {
    %c0_i32 = arith.constant 0 : i32
    %c0_i32_0 = arith.constant 0 : i32
    %c0_i32_1 = arith.constant 0 : i32
    return %c0_i32, %c0_i32_0 : i32, i32
  }
  func.func @transform_2(%arg0: i32) -> (i32, i32) {
    %c0_i32 = arith.constant 0 : i32
    %c0_i32_0 = arith.constant 0 : i32
    %c0_i32_1 = arith.constant 0 : i32
    return %c0_i32, %c0_i32_0 : i32, i32
  }
  func.func @transform_3(%arg0: i32) -> (i32, i32) {
    %c0_i32 = arith.constant 0 : i32
    %c0_i32_0 = arith.constant 0 : i32
    return %arg0, %c0_i32 : i32, i32
  }
}

module attributes {stable_mosaic.version = 14 : i64} {
  func.func @body(%arg0: i32, %arg1: memref<10240x128xf32, #tpu.memory_space<vmem>>, %arg2: memref<10000x128xf32, #tpu.memory_space<vmem>>, %arg3: memref<10240x128xf32, #tpu.memory_space<vmem>>, %arg4: memref<1x128xf32, #tpu.memory_space<vmem>>, %arg5: memref<128x128xf32, #tpu.memory_space<vmem>>, %arg6: memref<10000x128xf32, #tpu.memory_space<vmem>>, %arg7: memref<10000x128xf32, #tpu.memory_space<vmem>>) attributes {dimension_semantics = [#tpu.dimension_semantics<arbitrary>], iteration_bounds = array<i64: 1>, scalar_prefetch = 0 : i64, scratch_operands = 0 : i64, tpu.core_type = #tpu.core_type<tc>, window_params = [{pipeline_mode = #tpu.pipeline_mode<synchronous>, transform_indices = @transform_0, window_bounds = array<i64: 10240, 128>}, {transform_indices = @transform_1, window_bounds = array<i64: 10000, 128>}, {pipeline_mode = #tpu.pipeline_mode<synchronous>, transform_indices = @transform_2, window_bounds = array<i64: 10240, 128>}, {pipeline_mode = #tpu.pipeline_mode<synchronous>, transform_indices = @transform_3, window_bounds = array<i64: 1, 128>}, {pipeline_mode = #tpu.pipeline_mode<synchronous>, transform_indices = @transform_4, window_bounds = array<i64: 128, 128>}, {transform_indices = @transform_5, window_bounds = array<i64: 10000, 128>}, {transform_indices = @transform_6, window_bounds = array<i64: 10000, 128>}]} {
    %get3A = arith.constant 0 : index
    %get3A_0 = arith.constant 0 : index
    %get3A_1 = vector.load %arg3[%get3A, %get3A_0] : memref<10240x128xf32, #tpu.memory_space<vmem>>, vector<10000x1xf32>
    %get3A_2 = arith.constant 0 : index
    %get3A_3 = arith.constant 16 : index
    %get3A_4 = vector.load %arg3[%get3A_2, %get3A_3] : memref<10240x128xf32, #tpu.memory_space<vmem>>, vector<10000x1xf32>
    %add3A = arith.addf %get3A_1, %get3A_4 : vector<10000x1xf32>
    %add3A_5 = arith.constant 1.000000e+00 : f32
    %add3A_6 = vector.broadcast %add3A_5 : f32 to vector<10000x1xf32>
    %add3A_7 = arith.addf %add3A, %add3A_6 : vector<10000x1xf32>
    %rsqrt3A = math.rsqrt %add3A_7 : vector<10000x1xf32>
    %get3A_8 = arith.constant 0 : index
    %get3A_9 = arith.constant 0 : index
    %get3A_10 = vector.load %arg1[%get3A_8, %get3A_9] : memref<10240x128xf32, #tpu.memory_space<vmem>>, vector<10000x128xf32>
    %get3A_11 = arith.constant 0 : index
    %get3A_12 = arith.constant 0 : index
    %get3A_13 = vector.load %arg2[%get3A_11, %get3A_12] : memref<10000x128xf32, #tpu.memory_space<vmem>>, vector<10000x128xf32>
    %add3A_14 = arith.addf %get3A_10, %get3A_13 : vector<10000x128xf32>
    %mul3A = vector.broadcast %rsqrt3A : vector<10000x1xf32> to vector<10000x128xf32>
    %mul3A_15 = arith.mulf %add3A_14, %mul3A : vector<10000x128xf32>
    %get3A_16 = arith.constant 0 : index
    %get3A_17 = arith.constant 0 : index
    %get3A_18 = vector.load %arg4[%get3A_16, %get3A_17] : memref<1x128xf32, #tpu.memory_space<vmem>>, vector<1x128xf32>
    %add3A_19 = vector.broadcast %get3A_18 : vector<1x128xf32> to vector<10000x128xf32>
    %add3A_20 = arith.addf %mul3A_15, %add3A_19 : vector<10000x128xf32>
    %max3A = arith.constant 0.000000e+00 : f32
    %max3A_21 = vector.broadcast %max3A : f32 to vector<10000x128xf32>
    %max3A_22 = arith.maximumf %add3A_20, %max3A_21 : vector<10000x128xf32>
    %swap3A = arith.constant 0 : index
    %swap3A_23 = arith.constant 0 : index
    %swap3A_24 = vector.load %arg6[%swap3A, %swap3A_23] : memref<10000x128xf32, #tpu.memory_space<vmem>>, vector<10000x128xf32>
    tpu.vector_store %arg6[%swap3A, %swap3A_23], %max3A_22 {strides = array<i32>} : memref<10000x128xf32, #tpu.memory_space<vmem>>, vector<10000x128xf32>,
    %get3A_25 = arith.constant 0 : index
    %get3A_26 = arith.constant 0 : index
    %get3A_27 = vector.load %arg5[%get3A_25, %get3A_26] : memref<128x128xf32, #tpu.memory_space<vmem>>, vector<128x128xf32>
    %dot_general3A = arith.constant dense<0.000000e+00> : vector<10000x128xf32>
    %dot_general3A_28 = tpu.matmul %max3A_22, %get3A_27, %dot_general3A {dimension_numbers = #tpu.dot_dimension_numbers<[1], [0], [0], [1], [0, 0, 1, 1], [], []>, transpose_lhs_hint = false} : vector<10000x128xf32>, vector<128x128xf32>, vector<10000x128xf32> -> vector<10000x128xf32>
    %mul3A_29 = vector.broadcast %rsqrt3A : vector<10000x1xf32> to vector<10000x128xf32>
    %mul3A_30 = arith.mulf %dot_general3A_28, %mul3A_29 : vector<10000x128xf32>
    %swap3A_31 = arith.constant 0 : index
    %swap3A_32 = arith.constant 0 : index
    %swap3A_33 = vector.load %arg7[%swap3A_31, %swap3A_32] : memref<10000x128xf32, #tpu.memory_space<vmem>>, vector<10000x128xf32>
    tpu.vector_store %arg7[%swap3A_31, %swap3A_32], %mul3A_30 {strides = array<i32>} : memref<10000x128xf32, #tpu.memory_space<vmem>>, vector<10000x128xf32>,
    return
  }
  func.func @transform_0(%arg0: i32) -> (i32, i32) {
    %c0_i32 = arith.constant 0 : i32
    %c0_i32_0 = arith.constant 0 : i32
    %c0_i32_1 = arith.constant 0 : i32
    return %c0_i32, %c0_i32_0 : i32, i32
  }
  func.func @transform_1(%arg0: i32) -> (i32, i32) {
    %c0_i32 = arith.constant 0 : i32
    %c0_i32_0 = arith.constant 0 : i32
    return %arg0, %c0_i32 : i32, i32
  }
  func.func @transform_2(%arg0: i32) -> (i32, i32) {
    %c0_i32 = arith.constant 0 : i32
    %c0_i32_0 = arith.constant 0 : i32
    %c0_i32_1 = arith.constant 0 : i32
    return %c0_i32, %c0_i32_0 : i32, i32
  }
  func.func @transform_3(%arg0: i32) -> (i32, i32) {
    %c0_i32 = arith.constant 0 : i32
    %c0_i32_0 = arith.constant 0 : i32
    %c0_i32_1 = arith.constant 0 : i32
    return %c0_i32, %c0_i32_0 : i32, i32
  }
  func.func @transform_4(%arg0: i32) -> (i32, i32) {
    %c0_i32 = arith.constant 0 : i32
    %c0_i32_0 = arith.constant 0 : i32
    %c0_i32_1 = arith.constant 0 : i32
    return %c0_i32, %c0_i32_0 : i32, i32
  }
  func.func @transform_5(%arg0: i32) -> (i32, i32) {
    %c0_i32 = arith.constant 0 : i32
    %c0_i32_0 = arith.constant 0 : i32
    return %arg0, %c0_i32 : i32, i32
  }
  func.func @transform_6(%arg0: i32) -> (i32, i32) {
    %c0_i32 = arith.constant 0 : i32
    %c0_i32_0 = arith.constant 0 : i32
    return %arg0, %c0_i32 : i32, i32
  }
}

module attributes {stable_mosaic.version = 14 : i64} {
  func.func @body(%arg0: i32, %arg1: memref<10240x128xf32, #tpu.memory_space<vmem>>, %arg2: memref<10000x128xf32, #tpu.memory_space<vmem>>, %arg3: memref<10240x128xf32, #tpu.memory_space<vmem>>, %arg4: memref<1x128xf32, #tpu.memory_space<vmem>>, %arg5: memref<10000x128xf32, #tpu.memory_space<vmem>>, %arg6: memref<128x40xf32, #tpu.memory_space<vmem>>, %arg7: memref<1x40xf32, #tpu.memory_space<vmem>>, %arg8: memref<10000x40xf32, #tpu.memory_space<vmem>>) attributes {dimension_semantics = [#tpu.dimension_semantics<arbitrary>], iteration_bounds = array<i64: 1>, scalar_prefetch = 0 : i64, scratch_operands = 0 : i64, tpu.core_type = #tpu.core_type<tc>, window_params = [{pipeline_mode = #tpu.pipeline_mode<synchronous>, transform_indices = @transform_0, window_bounds = array<i64: 10240, 128>}, {transform_indices = @transform_1, window_bounds = array<i64: 10000, 128>}, {pipeline_mode = #tpu.pipeline_mode<synchronous>, transform_indices = @transform_2, window_bounds = array<i64: 10240, 128>}, {pipeline_mode = #tpu.pipeline_mode<synchronous>, transform_indices = @transform_3, window_bounds = array<i64: 1, 128>}, {transform_indices = @transform_4, window_bounds = array<i64: 10000, 128>}, {pipeline_mode = #tpu.pipeline_mode<synchronous>, transform_indices = @transform_5, window_bounds = array<i64: 128, 40>}, {pipeline_mode = #tpu.pipeline_mode<synchronous>, transform_indices = @transform_6, window_bounds = array<i64: 1, 40>}, {transform_indices = @transform_7, window_bounds = array<i64: 10000, 40>}]} {
    %get3A = arith.constant 0 : index
    %get3A_0 = arith.constant 0 : index
    %get3A_1 = vector.load %arg3[%get3A, %get3A_0] : memref<10240x128xf32, #tpu.memory_space<vmem>>, vector<10000x1xf32>
    %get3A_2 = arith.constant 0 : index
    %get3A_3 = arith.constant 16 : index
    %get3A_4 = vector.load %arg3[%get3A_2, %get3A_3] : memref<10240x128xf32, #tpu.memory_space<vmem>>, vector<10000x1xf32>
    %add3A = arith.addf %get3A_1, %get3A_4 : vector<10000x1xf32>
    %add3A_5 = arith.constant 1.000000e+00 : f32
    %add3A_6 = vector.broadcast %add3A_5 : f32 to vector<10000x1xf32>
    %add3A_7 = arith.addf %add3A, %add3A_6 : vector<10000x1xf32>
    %rsqrt3A = math.rsqrt %add3A_7 : vector<10000x1xf32>
    %get3A_8 = arith.constant 0 : index
    %get3A_9 = arith.constant 0 : index
    %get3A_10 = vector.load %arg1[%get3A_8, %get3A_9] : memref<10240x128xf32, #tpu.memory_space<vmem>>, vector<10000x128xf32>
    %get3A_11 = arith.constant 0 : index
    %get3A_12 = arith.constant 0 : index
    %get3A_13 = vector.load %arg2[%get3A_11, %get3A_12] : memref<10000x128xf32, #tpu.memory_space<vmem>>, vector<10000x128xf32>
    %add3A_14 = arith.addf %get3A_10, %get3A_13 : vector<10000x128xf32>
    %mul3A = vector.broadcast %rsqrt3A : vector<10000x1xf32> to vector<10000x128xf32>
    %mul3A_15 = arith.mulf %add3A_14, %mul3A : vector<10000x128xf32>
    %get3A_16 = arith.constant 0 : index
    %get3A_17 = arith.constant 0 : index
    %get3A_18 = vector.load %arg4[%get3A_16, %get3A_17] : memref<1x128xf32, #tpu.memory_space<vmem>>, vector<1x128xf32>
    %add3A_19 = vector.broadcast %get3A_18 : vector<1x128xf32> to vector<10000x128xf32>
    %add3A_20 = arith.addf %mul3A_15, %add3A_19 : vector<10000x128xf32>
    %max3A = arith.constant 0.000000e+00 : f32
    %max3A_21 = vector.broadcast %max3A : f32 to vector<10000x128xf32>
    %max3A_22 = arith.maximumf %add3A_20, %max3A_21 : vector<10000x128xf32>
    %get3A_23 = arith.constant 0 : index
    %get3A_24 = arith.constant 0 : index
    %get3A_25 = vector.load %arg5[%get3A_23, %get3A_24] : memref<10000x128xf32, #tpu.memory_space<vmem>>, vector<10000x128xf32>
    %add3A_26 = arith.addf %get3A_25, %max3A_22 : vector<10000x128xf32>
    %get3A_27 = arith.constant 0 : index
    %get3A_28 = arith.constant 0 : index
    %get3A_29 = vector.load %arg6[%get3A_27, %get3A_28] : memref<128x40xf32, #tpu.memory_space<vmem>>, vector<128x40xf32>
    %dot_general3A = arith.constant dense<0.000000e+00> : vector<10000x40xf32>
    %dot_general3A_30 = tpu.matmul %add3A_26, %get3A_29, %dot_general3A {dimension_numbers = #tpu.dot_dimension_numbers<[1], [0], [0], [1], [0, 0, 1, 1], [], []>, transpose_lhs_hint = false} : vector<10000x128xf32>, vector<128x40xf32>, vector<10000x40xf32> -> vector<10000x40xf32>
    %get3A_31 = arith.constant 0 : index
    %get3A_32 = arith.constant 0 : index
    %get3A_33 = vector.load %arg7[%get3A_31, %get3A_32] : memref<1x40xf32, #tpu.memory_space<vmem>>, vector<1x40xf32>
    %add3A_34 = vector.broadcast %get3A_33 : vector<1x40xf32> to vector<10000x40xf32>
    %add3A_35 = arith.addf %dot_general3A_30, %add3A_34 : vector<10000x40xf32>
    %reduce_max3A = arith.constant dense<0xFF800000> : vector<10000xf32>
    %reduce_max3A_36 = vector.multi_reduction <maximumf>, %add3A_35, %reduce_max3A [1] : vector<10000x40xf32> to vector<10000xf32>
    %broadcast_in_dim3A = vector.shape_cast %reduce_max3A_36 : vector<10000xf32> to vector<10000x1xf32>
    %sub3A = vector.broadcast %broadcast_in_dim3A : vector<10000x1xf32> to vector<10000x40xf32>
    %sub3A_37 = arith.subf %add3A_35, %sub3A : vector<10000x40xf32>
    %exp3A = math.exp %sub3A_37 : vector<10000x40xf32>
    %reduce_sum3A = arith.constant dense<0.000000e+00> : vector<10000xf32>
    %reduce_sum3A_38 = vector.multi_reduction <add>, %exp3A, %reduce_sum3A [1] : vector<10000x40xf32> to vector<10000xf32>
    %broadcast_in_dim3A_39 = vector.shape_cast %reduce_sum3A_38 : vector<10000xf32> to vector<10000x1xf32>
    %log3A = math.log %broadcast_in_dim3A_39 : vector<10000x1xf32>
    %sub3A_40 = vector.broadcast %broadcast_in_dim3A : vector<10000x1xf32> to vector<10000x40xf32>
    %sub3A_41 = arith.subf %add3A_35, %sub3A_40 : vector<10000x40xf32>
    %sub3A_42 = vector.broadcast %log3A : vector<10000x1xf32> to vector<10000x40xf32>
    %sub3A_43 = arith.subf %sub3A_41, %sub3A_42 : vector<10000x40xf32>
    %swap3A = arith.constant 0 : index
    %swap3A_44 = arith.constant 0 : index
    %swap3A_45 = vector.load %arg8[%swap3A, %swap3A_44] : memref<10000x40xf32, #tpu.memory_space<vmem>>, vector<10000x40xf32>
    tpu.vector_store %arg8[%swap3A, %swap3A_44], %sub3A_43 {strides = array<i32>} : memref<10000x40xf32, #tpu.memory_space<vmem>>, vector<10000x40xf32>,
    return
  }
  func.func @transform_0(%arg0: i32) -> (i32, i32) {
    %c0_i32 = arith.constant 0 : i32
    %c0_i32_0 = arith.constant 0 : i32
    %c0_i32_1 = arith.constant 0 : i32
    return %c0_i32, %c0_i32_0 : i32, i32
  }
  func.func @transform_1(%arg0: i32) -> (i32, i32) {
    %c0_i32 = arith.constant 0 : i32
    %c0_i32_0 = arith.constant 0 : i32
    return %arg0, %c0_i32 : i32, i32
  }
  func.func @transform_2(%arg0: i32) -> (i32, i32) {
    %c0_i32 = arith.constant 0 : i32
    %c0_i32_0 = arith.constant 0 : i32
    %c0_i32_1 = arith.constant 0 : i32
    return %c0_i32, %c0_i32_0 : i32, i32
  }
  func.func @transform_3(%arg0: i32) -> (i32, i32) {
    %c0_i32 = arith.constant 0 : i32
    %c0_i32_0 = arith.constant 0 : i32
    %c0_i32_1 = arith.constant 0 : i32
    return %c0_i32, %c0_i32_0 : i32, i32
  }
  func.func @transform_4(%arg0: i32) -> (i32, i32) {
    %c0_i32 = arith.constant 0 : i32
    %c0_i32_0 = arith.constant 0 : i32
    return %arg0, %c0_i32 : i32, i32
  }
  func.func @transform_5(%arg0: i32) -> (i32, i32) {
    %c0_i32 = arith.constant 0 : i32
    %c0_i32_0 = arith.constant 0 : i32
    %c0_i32_1 = arith.constant 0 : i32
    return %c0_i32, %c0_i32_0 : i32, i32
  }
  func.func @transform_6(%arg0: i32) -> (i32, i32) {
    %c0_i32 = arith.constant 0 : i32
    %c0_i32_0 = arith.constant 0 : i32
    %c0_i32_1 = arith.constant 0 : i32
    return %c0_i32, %c0_i32_0 : i32, i32
  }
  func.func @transform_7(%arg0: i32) -> (i32, i32) {
    %c0_i32 = arith.constant 0 : i32
    %c0_i32_0 = arith.constant 0 : i32
    return %arg0, %c0_i32 : i32, i32
  }
}

</mosaic_0001>

<sc_bundles>
// kernel: kernel.11.cloned.1.call-start
scs
__scs_entry_jumppad:
0x0: {  	(pc) =	sbr.rel $0x88, $3  }
0x1: {  	(tag) =	ssettag $0x0;
	lr =	simm.s32 $0x1  }
0x2: {  	[smem:$0x3F99] =	sst lr;
	_ =	strace $0xD0000000  }
0x3: {  	_ = 	snop  }
0x4: {  	_ = 	snop  }
0x5: {  	_ = 	snop  }
0x6: {  	_ = 	snop  }
0x7: {  	_ = 	snop  }
__scs_overlays_trampoline_lowered:
0x8: {  	[smem:$0x3FA8] =	sst s0  }
0x9: {  	[smem:$0x3FA9] =	sst s1  }
0xa: {  	[smem:$0x3FAA] =	sst s2  }
0xb: {  	[smem:$0x3FAB] =	sst s3  }
0xc: {  	[smem:$0x3FAC] =	sst s4  }
0xd: {  	[smem:$0x3FAD] =	sst s5  }
0xe: {  	[smem:$0x3FAE] =	sst s6  }
0xf: {  	[smem:$0x3FAF] =	sst s7  }
0x10: {  	[smem:$0x3FB0] =	sst s8  }
0x11: {  	[smem:$0x3FB1] =	sst s9;
	s0 =	simm.s32 @!p0 $0x0  }
0x12: {  	s1 =	sld [smem:$0x3F97];
	s0 =	simm.s32 @p0 $0x1  }
0x13: {  	[smem:$0x3FB2] =	sst s0;
	s0 =	simm.s32 @!p1 $0x0  }
0x14: {  	s2 =	sld [smem:$0x3F96];
	s0 =	simm.s32 @p1 $0x1  }
0x15: {  	[smem:$0x3FB3] =	sst s0;
	s0 =	simm.s32 @!p2 $0x0  }
0x16: {  	s3 =	sld [smem:$0x3FDB];
	s0 =	simm.s32 @p2 $0x1  }
0x17: {  	s4 =	simm.s32 $0x1BF5;
	[smem:$0x3FB5] =	sst s0  }
0x18: {  	s0 =	sld [smem:$0x3F98];
	_ =	swait.ge [sflag:s4], $0x0  }
0x19: {  	s7 =	sld [smem:$0x3F99]  }
0x1a: {  	s8 =	sadd.s32 $0xFFFFE003, lr  }
0x1b: {  	s9 =	sadd.s32 $0xFFFFFEF7, lr;
	s5 =	simm.s32 $0xFFFFFFFF;
	p2 =	slt.u32 s8, $0xFFFFF086  }
0x1c: {  	p1 =	slt.u32 s9, $0xF7A;
	s5 =	simm.s32 @!p2 $0x0  }
0x1d: {  	s5 =	simm.s32 @p1 $0x1;
	p0 =	seq.s32 s7, s2  }
0x1e: {  	s7 =	smul.u32 @!p0 $0xF7A, s2;
	p2 =	seq.s32 @!p0 s5, $0x0  }
0x1f: {  	s9 =	smul.u32 $0xF7A, s1;
	s8 =	simm.s32 @!p0 $0x1BF5;
	p2 =	por !p2, p0  }
0x20: {  	[sflag:s8] =	ssyncset.s32 @!p0 $0xFFFFF086;
	s6 =	sadd.s32 @!p0 s3, s7;
	s7 =	simm.s32 @!p0 $0x108  }
0x21: {  	s3 =	sadd.s32 s3, s9;
	s6 =	sadd.s32 @!p0 $0x88, s6;
	s7 =	simm.s32 @p2 $0x1082  }
0x22: {  	[simem:s7], [sflag:s8] =	dma.local @!p0 [hbm:s6], $0xF7A  }
0x23: {  	s9 =	sor.u32 $0xD0000000, s2;
	s6 =	simm.s32 $0x108;
	_ =	swait.ge @!p0 [sflag:s8], $0x0  }
0x24: {  	s3 =	sadd.s32 $0x88, s3;
	s6 =	simm.s32 @!p1 $0x1082;
	[sflag:s4] =	ssyncset.s32 $0xFFFFF086  }
0x25: {  	[simem:s6], [sflag:s4] =	dma.local [hbm:s3], $0xF7A  }
0x26: {  	[smem:$0x3F99] =	sst s1;
	(tag) =	ssettag s2;
	_ =	strace s9  }
0x27: {  	s1 =	sld [smem:$0x3FA9]  }
0x28: {  	s2 =	sld [smem:$0x3FAA]  }
0x29: {  	s4 =	sld [smem:$0x3FAC]  }
0x2a: {  	p0 =	seq.s32 s5, $0x0;
	s5 =	sld [smem:$0x3FAD]  }
0x2b: {  	s6 =	sld [smem:$0x3FAE]  }
0x2c: {  	s7 =	sld [smem:$0x3FAF]  }
0x2d: {  	s3 =	simm.s32 $0x108;
	s8 =	sld [smem:$0x3FB0]  }
0x2e: {  	s3 =	simm.s32 @!p0 $0x1082;
	s9 =	sld [smem:$0x3FB1]  }
0x2f: {  	lr =	sadd.s32 s0, s3;
	s0 =	sld [smem:$0x3FA8]  }
0x30: {  	s3 =	sld [smem:$0x3FAB]  }
0x31: {  	[smem:$0x3FB4] =	sst s10  }
0x32: {  	s10 =	sld [smem:$0x3FB2];
	_ =	sdelay $0x3  }
0x33: {  	p0 =	seq.s32 s10, $0x1;
	s10 =	sld [smem:$0x3FB4];
	_ =	sdelay $0x3  }
0x34: {  	[smem:$0x3FB4] =	sst s10  }
0x35: {  	s10 =	sld [smem:$0x3FB3];
	_ =	sdelay $0x3  }
0x36: {  	p1 =	seq.s32 s10, $0x1;
	s10 =	sld [smem:$0x3FB4];
	_ =	sdelay $0x3  }
0x37: {  	[smem:$0x3FB4] =	sst s10  }
0x38: {  	s10 =	sld [smem:$0x3FB5]  }
0x39: {  	_ = 	snop;
	(pc) =	sbr.ind lr, $3  }
0x3a: {  	_ = 	snop  }
0x3b: {  	_ = 	snop  }
0x3c: {  	p2 =	seq.s32 s10, $0x1;
	s10 =	sld [smem:$0x3FB4]  }
0x3d: {  	_ =	shalt  }
0x3e: {  	_ =	shalt  }
0x3f: {  	_ =	shalt  }
0x40: {  	_ =	shalt  }
0x41: {  	_ =	shalt  }
0x42: {  	_ =	shalt  }
0x43: {  	_ =	shalt  }
0x44: {  	_ =	shalt  }
0x45: {  	_ =	shalt  }
0x46: {  	_ =	shalt  }
0x47: {  	_ =	shalt  }
0x48: {  	_ =	shalt  }
0x49: {  	_ =	shalt  }
0x4a: {  	_ =	shalt  }
0x4b: {  	_ =	shalt  }
0x4c: {  	_ =	shalt  }
0x4d: {  	_ =	shalt  }
0x4e: {  	_ =	shalt  }
0x4f: {  	_ =	shalt  }
0x50: {  	_ =	shalt  }
0x51: {  	_ =	shalt  }
0x52: {  	_ =	shalt  }
0x53: {  	_ =	shalt  }
0x54: {  	_ =	shalt  }
0x55: {  	_ =	shalt  }
0x56: {  	_ =	shalt  }
0x57: {  	_ =	shalt  }
0x58: {  	_ =	shalt  }
0x59: {  	_ =	shalt  }
0x5a: {  	_ =	shalt  }
0x5b: {  	_ =	shalt  }
0x5c: {  	_ =	shalt  }
0x5d: {  	_ =	shalt  }
0x5e: {  	_ =	shalt  }
0x5f: {  	_ =	shalt  }
0x60: {  	_ =	shalt  }
0x61: {  	_ =	shalt  }
0x62: {  	_ =	shalt  }
0x63: {  	_ =	shalt  }
0x64: {  	_ =	shalt  }
0x65: {  	_ =	shalt  }
0x66: {  	_ =	shalt  }
0x67: {  	_ =	shalt  }
0x68: {  	_ =	shalt  }
0x69: {  	_ =	shalt  }
0x6a: {  	_ =	shalt  }
0x6b: {  	_ =	shalt  }
0x6c: {  	_ =	shalt  }
0x6d: {  	_ =	shalt  }
0x6e: {  	_ =	shalt  }
0x6f: {  	_ =	shalt  }
0x70: {  	_ =	shalt  }
0x71: {  	_ =	shalt  }
0x72: {  	_ =	shalt  }
0x73: {  	_ =	shalt  }
0x74: {  	_ =	shalt  }
0x75: {  	_ =	shalt  }
0x76: {  	_ =	shalt  }
0x77: {  	_ =	shalt  }
0x78: {  	_ =	shalt  }
0x79: {  	_ =	shalt  }
0x7a: {  	_ =	shalt  }
0x7b: {  	_ =	shalt  }
0x7c: {  	_ =	shalt  }
0x7d: {  	_ =	shalt  }
0x7e: {  	_ =	shalt  }
0x7f: {  	_ =	shalt  }
0x80: {  	_ =	shalt  }
0x81: {  	_ =	shalt  }
0x82: {  	_ =	shalt  }
0x83: {  	_ =	shalt  }
0x84: {  	_ =	shalt  }
0x85: {  	_ =	shalt  }
0x86: {  	_ =	shalt  }
0x87: {  	_ =	shalt  }
.Lfunc_end0:
.L_simem_size_0:
called_computation.1_lowered:
.L_overlay_start_0:
0x88: {  	s2 =	sld [smem:$0x3FD9]  }
0x89: {  	s3 =	sld [smem:$0x3FFE];
	_ =	sdelay $0x1  }
0x8a: {  	s1 =	srdreg.scid  }
0x8b: {  	s0 =	sand.u32 $0x1, s1  }
0x8c: {  	s17 =	sshll.u32 s0, $0xA;
	s2 =	sadd.s32 s3, s2  }
0x8d: {  	s2 =	sadd.s32 s2, s17  }
0x8e: {  	[smem:$0x3FC0] =	sst s2  }
0x8f: {  	_ = 	snop  }
0x90: {  	s2 =	sld [smem:$0x3FD0];
	(tm) =	ssettm $0x1  }
0x91: {  	s18 =	sld [smem:$0x3FFB];
	_ =	sdelay $0x3  }
0x92: {  	_ =	strace s18  }
0x93: {  	s3 =	sld [smem:$0x3FFC];
	_ =	sdelay $0x3  }
0x94: {  	_ =	strace s3  }
0x95: {  	s3 =	sld [smem:$0x3FFD];
	_ =	sdelay $0x3  }
0x96: {  	_ =	strace s3  }
0x97: {  	_ =	strace $0x8FFFFFFF  }
0x98: {  	s19 =	sld [smem:$0x3FDB];
	_ =	sdelay $0x1  }
0x99: {  	s4 =	simm.s32 $_scs_section_size  }
0x9a: {  	s5 =	simm.s32 $_size__tile_overlayer_lowered;
	s6 =	simm.s32 $_tile_overlayer_lowered  }
0x9b: {  	s22 =	simm.s32 $0x1BFF;
	s21 =	sshll.u32 s6, $0x1;
	s3 =	sadd.s32 s4, s19  }
0x9c: {  	s7 =	simm.s32 $0x0;
	s20 =	sshll.u32 s5, $0x1;
	s5 =	sadd.s32 s21, s3  }
0x9d: {  	[timem:s7], [sflag:s22] =	dma.local [hbm:s5], s20  }
0x9e: {  	_ =	swait.ge [sflag:s22], s20  }
0x9f: {  	s4 =	ssub.s32 $0x0, s20;
	[sflag:s22] =	ssyncset.done $0x0  }
0xa0: {  	[sflag:s22] =	ssyncadd.s32 s4;
	_ =	sdelay $0x1  }
0xa1: {  	s23 =	simm.s32 $0x1B8B  }
0xa2: {  	_ =	swait.ge [sflag:s23], $0x1  }
0xa3: {  	[sflag:s23] =	ssyncset.done $0x0  }
0xa4: {  	s25 =	simm.s32 $0x1B8E;
	s24 =	sld [smem:$0x3FFE];
	[sflag:s23] =	ssyncadd.s32 $0xFFFFFFFF  }
0xa5: {  	s26 =	simm.s32 $execute0_lowered;
	[smem:$0x3FD2] =	sst s25  }
0xa6: {  	s5 =	sshll.u32 s26, $0x1;
	_ =	strace $0x80000049;
	[dreg:$0x1] =	wrdreg $0xFFFFFFFF  }
0xa7: {  	s28 =	simm.s32 $_size_execute0_lowered;
	s3 =	sadd.s32 s3, s5;
	[dreg:$0x0] =	wrdreg $0x0  }
0xa8: {  	s5 =	sshll.u32 s28, $0x1;
	[dreg:$0x2] =	wrdreg s3  }
0xa9: {  	[dreg:$0x3] =	wrdreg s5  }
0xaa: {  	[dreg:$0x4] =	wrdreg $0xC0  }
0xab: {  	_ =	task [dreg:s7], $0x5FFFF  }
0xac: {  	[dreg:$0x1] =	wrdreg $0xFFFFFFFF  }
0xad: {  	[dreg:$0x0] =	wrdreg $0x60  }
0xae: {  	[dreg:$0x2] =	wrdreg s24  }
0xaf: {  	[dreg:$0x3] =	wrdreg s2  }
0xb0: {  	[dreg:$0x4] =	wrdreg $0x140000  }
0xb1: {  	[dreg:$0x5] =	wrdreg $0x9  }
0xb2: {  	_ =	task.clear_ibuf [dreg:s7], $0x6FFFF;
	_ =	strace $0x90000049  }
0xb3: {  	s29 =	simm.s32 $0x9;
	_ =	strace $0x8000004B  }
0xb4: {  	_ =	swait.ge [sflag:s29], $0x1  }
0xb5: {  	[sflag:s29] =	ssyncadd.s32 $0xFFFFFFFF  }
0xb6: {  	_ =	strace $0x9000004B  }
0xb7: {  	_ =	sfence  }
0xb8: {  	s30 =	sld [smem:$0x0];
	_ =	sdelay $0x2  }
0xb9: {  	s31 =	sshll.u32 s1, $0xD;
	s1 =	sshrl.u32 s1, $0x2  }
0xba: {  	s3 =	sand.u32 $0x4000, s31;
	s1 =	sadd.s32 s1, s30  }
0xbb: {  	s0 =	sor.u32 s3, s0;
	s1 =	sshll.u32 s1, $0x11  }
0xbc: {  	s0 =	sor.u32 s1, s0  }
0xbd: {  	s0 =	sadd.s32 $0x8F2B, s0  }
0xbe: {  	[sflag:s0] =	ssyncadd.remote.s32 $0x1  }
0xbf: {  	_ =	sfence.sel $0xFFFF  }
0xc0: {  	[dreg:$0x0] =	wrdreg $0xFFFFFFFF;
	(pc) =	sbr.abs _section_cstart, $3  }
0xc1: {  	[dreg:$0x1] =	wrdreg $0xFFFFFFFF  }
0xc2: {  	_ =	task.clear_ibuf [dreg:s7], $0x2FFFF;
	_ =	strace $0x9FFFFFFF  }
0xc3: {  	(tm) =	ssettm $0x7FFFFFFF  }
tec
execute0_lowered:
.L_overlay_start_1:
0x0: {  	(tag) =	ssettag $0x1  }
0x1: {  	s8 =	rddreg [dreg:$0x0]  }
0x2: {  	s7 =	rddreg [dreg:$0x1]  }
0x3: {  	s2 =	rddreg [dreg:$0x2]  }
0x4: {  	s0 =	rddreg [dreg:$0x3]  }
0x5: {  	s3 =	simm.s32 $0x0;
	s4 =	srdreg.scid;
	s1 =	stileid.u32  }
0x6: {  	s13 =	simm.s32 $0x36200;
	s14 =	simm.s32 $0x2;
	s15 =	simm.s32 $0x1  }
0x7: {  	s16 =	simm.s32 $0x140;
	s17 =	simm.s32 $0xA000;
	s18 =	simm.s32 $0xF000  }
0x8: {  	s19 =	simm.s32 $0x4;
	s20 =	simm.s32 $0x4EC0;
	s21 =	simm.s32 $0x9D80  }
0x9: {  	s22 =	simm.s32 $0x9EC0;
	s23 =	simm.s32 $0x10;
	s24 =	simm.s32 $0x8  }
0xa: {  	s25 =	simm.s32 $0x0;
	[smem:$0x7FF] =	sst s3;
	s5 =	smul.u32 $0x14000, s1  }
0xb: {  	s6 =	sand.u32 $0x1, s4;
	s4 =	sadd.s32 $0x40200, s8;
	s11 =	smul.u32 $0x28000, s1  }
0xc: {  	s30 =	smul.u32 $0xA00, s1;
	s31 =	sshll.u32 s1, $0x6;
	_ =	strace $0x8000004A  }
0xd: {  	s9 =	sshll.u32 s6, $0x6;
	s10 =	ssub.s32 $0x2, s6;
	p0 =	seq.s32 s6, $0x1  }
0xe: {  	s6 =	sor.u32 $0x1C03, s31;
	s9 =	sor.u32 s9, s5;
	s5 =	sadd.s32 $0x67400, s8  }
0xf: {  	s12 =	sshrl.u32 s10, $0x1;
	s11 =	sshrl.u32 s11, $0x2;
	s13 =	simm.s32 @!p0 $0x3800  }
0x10: {  	s7 =	sadd.s32 s7, s30;
	s9 =	sshrl.u32 s9, $0x3;
	s10 =	ssub.s32 s10, s12  }
0x11: {  	s11 =	sadd.s32 s11, s2;
	s13 =	sadd.s32 s13, s8;
	s9 =	sadd.s32 s9, s8  }
0x12: {  	s12 =	simm.s32 $0x3;
	s11 =	sshrl.u32 s11, $0x3;
	s8 =	sadd.s32 $0x68800, s9  }
0x13: {  	s9 =	smax.u32 s10, $0x1;
	s10 =	sadd.s32 s13, s30;
	s13 =	simm.s32 $0x5000  }
.LBB2_1:
0x14: {  	[spmem:s11], [sflag:s6] =	dma.local [hbm:s5], $0x1400  }
0x15: {  	_ =	swait.ge [sflag:s12], $0x1400  }
0x16: {  	[sflag:s12] =	ssyncset.done $0x0  }
0x17: {  	[sflag:s12] =	ssyncadd.s32 $0xFFFFEC00  }
0x18: {  	[tilespmem:s13], [sflag:$0x2] =	stream.linear.gather [hbm4b:s7+s3], $0x5000, $0x38;
	[tilespmem:$0x1E000] =	vst v63  }
0x19: {  	_ =	swait.ge [sflag:s14], $0x5000  }
0x1a: {  	[sflag:s14] =	ssyncset.done $0x0  }
0x1b: {  	[sflag:s14] =	ssyncadd.s32 $0xFFFFB000  }
0x1c: {  	[tilespmem:s3], [sflag:$0x1] =	stream.linear.gather [hbm4b:s10+s3], $0x5000, $0x38;
	[tilespmem:$0x1E000] =	vst v63  }
0x1d: {  	_ =	swait.ge [sflag:s15], $0x5000  }
0x1e: {  	[sflag:s15] =	ssyncset.done $0x0  }
0x1f: {  	[sflag:s15] =	ssyncadd.s32 $0xFFFFB000  }
0x20: {  	[bflag:$0x0] =	sbarrier.arrive $0xFFFF  }
0x21: {  	[tilespmem:s17], [sflag:$0x1] =	stream.indirect.gather [hbm4b:s4+s16], $0x40, s3, s16, $0xb8;
	[tilespmem:$0x1E000] =	vst v63  }
0x22: {  	_ =	swait.ge [sflag:s15], $0x5000  }
0x23: {  	[sflag:s15] =	ssyncset.done $0x0  }
0x24: {  	s26 =	simm.s32 $0x140;
	[sflag:s15] =	ssyncadd.s32 $0xFFFFB000  }
0x25: {  	[tilespmem:s18], [sflag:$0x2] =	stream.indirect.gather [hbm4b:s4+s16], $0x40, s26, s16, $0xb8;
	[tilespmem:$0x1E000] =	vst v63  }
0x26: {  	s29 =	simm.s32 $0x5000  }
0x27: {  	[spmem:s2] =	stream.indirect.scatter.add.f32 [tilespmem:s17], [sflag:$0x4], $0x40, s29, s16, $0xb8;
	[tilespmem:$0x1E000] =	vst v63  }
0x28: {  	_ =	swait.ge [sflag:s19], $0x5000  }
0x29: {  	[sflag:s19] =	ssyncset.done $0x0  }
0x2a: {  	[sflag:s19] =	ssyncadd.s32 $0xFFFFB000  }
0x2b: {  	_ =	swait.ge [sflag:s14], $0x5000  }
0x2c: {  	[sflag:s14] =	ssyncset.done $0x0  }
0x2d: {  	s30 =	simm.s32 $0x280;
	[sflag:s14] =	ssyncadd.s32 $0xFFFFB000  }
0x2e: {  	[tilespmem:s17], [sflag:$0x1] =	stream.indirect.gather [hbm4b:s4+s16], $0x40, s30, s16, $0xb8;
	[tilespmem:$0x1E000] =	vst v63  }
0x2f: {  	s31 =	simm.s32 $0x5140  }
0x30: {  	[spmem:s2] =	stream.indirect.scatter.add.f32 [tilespmem:s18], [sflag:$0x4], $0x40, s31, s16, $0xb8;
	[tilespmem:$0x1E000] =	vst v63  }
0x31: {  	_ =	swait.ge [sflag:s19], $0x5000  }
0x32: {  	s26 =	simm.s32 $0xA00;
	[sflag:s19] =	ssyncset.done $0x0  }
.LBB2_2:
0x33: {  	p0 =	sne.s32 s26, $0x12C00  }
0x34: {  	[sflag:s19] =	ssyncadd.s32 $0xFFFFB000;
	s28 =	smov.u32 s26;
	s26 =	sadd.s32 $0xA00, s26  }
0x35: {  	_ = 	snop  }
0x36: {  	_ =	swait.ge [sflag:s15], $0x5000  }
0x37: {  	s28 =	sshra.s32 s28, $0x2;
	[sflag:s15] =	ssyncset.done $0x0  }
0x38: {  	s29 =	sadd.s32 $0x140, s28;
	[sflag:s15] =	ssyncadd.s32 $0xFFFFB000  }
0x39: {  	[tilespmem:s18], [sflag:$0x2] =	stream.indirect.gather [hbm4b:s4+s16], $0x40, s29, s16, $0xb8;
	[tilespmem:$0x1E000] =	vst v63  }
0x3a: {  	s29 =	sadd.s32 $0x5000, s28  }
0x3b: {  	[spmem:s2] =	stream.indirect.scatter.add.f32 [tilespmem:s17], [sflag:$0x4], $0x40, s29, s16, $0xb8;
	[tilespmem:$0x1E000] =	vst v63  }
0x3c: {  	_ =	swait.ge [sflag:s19], $0x5000  }
0x3d: {  	[sflag:s19] =	ssyncset.done $0x0  }
0x3e: {  	[sflag:s19] =	ssyncadd.s32 $0xFFFFB000  }
0x3f: {  	_ =	swait.ge [sflag:s14], $0x5000  }
0x40: {  	[sflag:s14] =	ssyncset.done $0x0  }
0x41: {  	s29 =	sadd.s32 $0x280, s28;
	[sflag:s14] =	ssyncadd.s32 $0xFFFFB000  }
0x42: {  	[tilespmem:s17], [sflag:$0x1] =	stream.indirect.gather [hbm4b:s4+s16], $0x40, s29, s16, $0xb8;
	[tilespmem:$0x1E000] =	vst v63  }
.Ltmp0:
0x43: {  	_ = 	snop;
	(pc) =	sbr.rel @p0 .LBB2_2-.Ltmp0, $4  }
0x44: {  	s28 =	sadd.s32 $0x5140, s28  }
0x45: {  	[spmem:s2] =	stream.indirect.scatter.add.f32 [tilespmem:s18], [sflag:$0x4], $0x40, s28, s16, $0xb8;
	[tilespmem:$0x1E000] =	vst v63  }
0x46: {  	_ =	swait.ge [sflag:s19], $0x5000  }
0x47: {  	[sflag:s19] =	ssyncset.done $0x0  }
0x48: {  	[sflag:s19] =	ssyncadd.s32 $0xFFFFB000  }
0x49: {  	_ =	swait.ge [sflag:s15], $0x5000  }
0x4a: {  	[sflag:s15] =	ssyncset.done $0x0  }
0x4b: {  	[sflag:s15] =	ssyncadd.s32 $0xFFFFB000  }
0x4c: {  	[tilespmem:s18], [sflag:$0x2] =	stream.indirect.gather [hbm4b:s4+s16], $0x40, s20, s16, $0xb8;
	[tilespmem:$0x1E000] =	vst v63  }
0x4d: {  	_ = 	snop  }
0x4e: {  	[spmem:s2] =	stream.indirect.scatter.add.f32 [tilespmem:s17], [sflag:$0x4], $0x40, s21, s16, $0xb8;
	[tilespmem:$0x1E000] =	vst v63  }
0x4f: {  	_ =	swait.ge [sflag:s19], $0x5000  }
0x50: {  	[sflag:s19] =	ssyncset.done $0x0  }
0x51: {  	[sflag:s19] =	ssyncadd.s32 $0xFFFFB000  }
0x52: {  	_ =	swait.ge [sflag:s14], $0x5000  }
0x53: {  	[sflag:s14] =	ssyncset.done $0x0  }
0x54: {  	[sflag:s14] =	ssyncadd.s32 $0xFFFFB000  }
0x55: {  	[spmem:s2] =	stream.indirect.scatter.add.f32 [tilespmem:s18], [sflag:$0x4], $0x40, s22, s16, $0xb8;
	[tilespmem:$0x1E000] =	vst v63  }
0x56: {  	_ =	swait.ge [sflag:s19], $0x5000  }
0x57: {  	s25 =	sadd.s32 $0x1, s25;
	[sflag:s19] =	ssyncset.done $0x0  }
0x58: {  	p0 =	sne.s32 s25, s9;
	[sflag:s19] =	ssyncadd.s32 $0xFFFFB000  }
.Ltmp1:
0x59: {  	[bflag:$0x0] =	sbarrier.arrive $0xFFFF;
	(pc) =	sbr.rel @p0 .LBB2_1-.Ltmp1, $4  }
0x5a: {  	[hbm:s8@s23], [sflag:s6] =	dma.strided [spmem:s11@s24], $0x1400, s15, $0x8   }
0x5b: {  	_ =	swait.ge [sflag:s12], $0x1400  }
0x5c: {  	[sflag:s12] =	ssyncset.done $0x0  }
0x5d: {  	[sflag:s12] =	ssyncadd.s32 $0xFFFFEC00  }
0x5e: {  	_ =	sfence.sel $0x180000  }
0x5f: {  	[bflag:$0x0] =	sbarrier.arrive $0xFFFF  }
0x60: {  	p0 =	sne.s32 s1, $0x0;
	_ =	strace $0x9000004A  }
0x61: {  	s0 =	sadd.s32 @!p0 $0x100000, s0;
	[bflag:$0x2] =	sbarrier.arrive $0xFFFF  }
0x62: {  	[sflag:s0] =	ssyncadd.tile.s32 @!p0 $0x1;
	_ =	shalt  }
.Lfunc_end2:
_tile_overlayer_lowered:
.L_overlay_start_2:
0x63: {  	(tag) =	ssettag $0x2  }
0x64: {  	s0 =	rddreg [dreg:$0x0];
	s2 =	stileid.u32  }
0x65: {  	s1 =	rddreg [dreg:$0x1];
	p0 =	sne.s32 s2, $0x0  }
0x66: {  	s3 =	rddreg [dreg:$0x2];
	[bflag:$0x3] =	sbarrier.arrive $0xFFFF;
	s2 =	simm.s32 @!p0 $0x1C04  }
0x67: {  	[timem:s3], [sflag:s2] =	dma.local @!p0 [hbm:s0], s1  }
0x68: {  	s0 =	simm.s32 @!p0 $0x4  }
0x69: {  	_ =	swait.ge @!p0 [sflag:s0], s1  }
0x6a: {  	s1 =	ssub.s32 @!p0 $0x0, s1;
	[sflag:s0] =	ssyncset.done @!p0 $0x0  }
0x6b: {  	[sflag:s0] =	ssyncadd.s32 @!p0 s1  }
0x6c: {  	[bflag:$0x3] =	sbarrier.arrive $0xFFFF  }
0x6d: {  	_ =	shalt  }

// kernel: kernel.14.cloned.1.call-start
scs
__scs_entry_jumppad:
0x0: {  	(pc) =	sbr.rel $0x88, $3  }
0x1: {  	(tag) =	ssettag $0x0;
	lr =	simm.s32 $0x1  }
0x2: {  	[smem:$0x3F99] =	sst lr;
	_ =	strace $0xD0000000  }
0x3: {  	_ = 	snop  }
0x4: {  	_ = 	snop  }
0x5: {  	_ = 	snop  }
0x6: {  	_ = 	snop  }
0x7: {  	_ = 	snop  }
__scs_overlays_trampoline_lowered:
0x8: {  	[smem:$0x3FA8] =	sst s0  }
0x9: {  	[smem:$0x3FA9] =	sst s1  }
0xa: {  	[smem:$0x3FAA] =	sst s2  }
0xb: {  	[smem:$0x3FAB] =	sst s3  }
0xc: {  	[smem:$0x3FAC] =	sst s4  }
0xd: {  	[smem:$0x3FAD] =	sst s5  }
0xe: {  	[smem:$0x3FAE] =	sst s6  }
0xf: {  	[smem:$0x3FAF] =	sst s7  }
0x10: {  	[smem:$0x3FB0] =	sst s8  }
0x11: {  	[smem:$0x3FB1] =	sst s9;
	s0 =	simm.s32 @!p0 $0x0  }
0x12: {  	s1 =	sld [smem:$0x3F97];
	s0 =	simm.s32 @p0 $0x1  }
0x13: {  	[smem:$0x3FB2] =	sst s0;
	s0 =	simm.s32 @!p1 $0x0  }
0x14: {  	s2 =	sld [smem:$0x3F96];
	s0 =	simm.s32 @p1 $0x1  }
0x15: {  	[smem:$0x3FB3] =	sst s0;
	s0 =	simm.s32 @!p2 $0x0  }
0x16: {  	s3 =	sld [smem:$0x3FDB];
	s0 =	simm.s32 @p2 $0x1  }
0x17: {  	s4 =	simm.s32 $0x1BF5;
	[smem:$0x3FB5] =	sst s0  }
0x18: {  	s0 =	sld [smem:$0x3F98];
	_ =	swait.ge [sflag:s4], $0x0  }
0x19: {  	s7 =	sld [smem:$0x3F99]  }
0x1a: {  	s8 =	sadd.s32 $0xFFFFE003, lr  }
0x1b: {  	s9 =	sadd.s32 $0xFFFFFEF7, lr;
	s5 =	simm.s32 $0xFFFFFFFF;
	p2 =	slt.u32 s8, $0xFFFFF086  }
0x1c: {  	p1 =	slt.u32 s9, $0xF7A;
	s5 =	simm.s32 @!p2 $0x0  }
0x1d: {  	s5 =	simm.s32 @p1 $0x1;
	p0 =	seq.s32 s7, s2  }
0x1e: {  	s7 =	smul.u32 @!p0 $0xF7A, s2;
	p2 =	seq.s32 @!p0 s5, $0x0  }
0x1f: {  	s9 =	smul.u32 $0xF7A, s1;
	s8 =	simm.s32 @!p0 $0x1BF5;
	p2 =	por !p2, p0  }
0x20: {  	[sflag:s8] =	ssyncset.s32 @!p0 $0xFFFFF086;
	s6 =	sadd.s32 @!p0 s3, s7;
	s7 =	simm.s32 @!p0 $0x108  }
0x21: {  	s3 =	sadd.s32 s3, s9;
	s6 =	sadd.s32 @!p0 $0x88, s6;
	s7 =	simm.s32 @p2 $0x1082  }
0x22: {  	[simem:s7], [sflag:s8] =	dma.local @!p0 [hbm:s6], $0xF7A  }
0x23: {  	s9 =	sor.u32 $0xD0000000, s2;
	s6 =	simm.s32 $0x108;
	_ =	swait.ge @!p0 [sflag:s8], $0x0  }
0x24: {  	s3 =	sadd.s32 $0x88, s3;
	s6 =	simm.s32 @!p1 $0x1082;
	[sflag:s4] =	ssyncset.s32 $0xFFFFF086  }
0x25: {  	[simem:s6], [sflag:s4] =	dma.local [hbm:s3], $0xF7A  }
0x26: {  	[smem:$0x3F99] =	sst s1;
	(tag) =	ssettag s2;
	_ =	strace s9  }
0x27: {  	s1 =	sld [smem:$0x3FA9]  }
0x28: {  	s2 =	sld [smem:$0x3FAA]  }
0x29: {  	s4 =	sld [smem:$0x3FAC]  }
0x2a: {  	p0 =	seq.s32 s5, $0x0;
	s5 =	sld [smem:$0x3FAD]  }
0x2b: {  	s6 =	sld [smem:$0x3FAE]  }
0x2c: {  	s7 =	sld [smem:$0x3FAF]  }
0x2d: {  	s3 =	simm.s32 $0x108;
	s8 =	sld [smem:$0x3FB0]  }
0x2e: {  	s3 =	simm.s32 @!p0 $0x1082;
	s9 =	sld [smem:$0x3FB1]  }
0x2f: {  	lr =	sadd.s32 s0, s3;
	s0 =	sld [smem:$0x3FA8]  }
0x30: {  	s3 =	sld [smem:$0x3FAB]  }
0x31: {  	[smem:$0x3FB4] =	sst s10  }
0x32: {  	s10 =	sld [smem:$0x3FB2];
	_ =	sdelay $0x3  }
0x33: {  	p0 =	seq.s32 s10, $0x1;
	s10 =	sld [smem:$0x3FB4];
	_ =	sdelay $0x3  }
0x34: {  	[smem:$0x3FB4] =	sst s10  }
0x35: {  	s10 =	sld [smem:$0x3FB3];
	_ =	sdelay $0x3  }
0x36: {  	p1 =	seq.s32 s10, $0x1;
	s10 =	sld [smem:$0x3FB4];
	_ =	sdelay $0x3  }
0x37: {  	[smem:$0x3FB4] =	sst s10  }
0x38: {  	s10 =	sld [smem:$0x3FB5]  }
0x39: {  	_ = 	snop;
	(pc) =	sbr.ind lr, $3  }
0x3a: {  	_ = 	snop  }
0x3b: {  	_ = 	snop  }
0x3c: {  	p2 =	seq.s32 s10, $0x1;
	s10 =	sld [smem:$0x3FB4]  }
0x3d: {  	_ =	shalt  }
0x3e: {  	_ =	shalt  }
0x3f: {  	_ =	shalt  }
0x40: {  	_ =	shalt  }
0x41: {  	_ =	shalt  }
0x42: {  	_ =	shalt  }
0x43: {  	_ =	shalt  }
0x44: {  	_ =	shalt  }
0x45: {  	_ =	shalt  }
0x46: {  	_ =	shalt  }
0x47: {  	_ =	shalt  }
0x48: {  	_ =	shalt  }
0x49: {  	_ =	shalt  }
0x4a: {  	_ =	shalt  }
0x4b: {  	_ =	shalt  }
0x4c: {  	_ =	shalt  }
0x4d: {  	_ =	shalt  }
0x4e: {  	_ =	shalt  }
0x4f: {  	_ =	shalt  }
0x50: {  	_ =	shalt  }
0x51: {  	_ =	shalt  }
0x52: {  	_ =	shalt  }
0x53: {  	_ =	shalt  }
0x54: {  	_ =	shalt  }
0x55: {  	_ =	shalt  }
0x56: {  	_ =	shalt  }
0x57: {  	_ =	shalt  }
0x58: {  	_ =	shalt  }
0x59: {  	_ =	shalt  }
0x5a: {  	_ =	shalt  }
0x5b: {  	_ =	shalt  }
0x5c: {  	_ =	shalt  }
0x5d: {  	_ =	shalt  }
0x5e: {  	_ =	shalt  }
0x5f: {  	_ =	shalt  }
0x60: {  	_ =	shalt  }
0x61: {  	_ =	shalt  }
0x62: {  	_ =	shalt  }
0x63: {  	_ =	shalt  }
0x64: {  	_ =	shalt  }
0x65: {  	_ =	shalt  }
0x66: {  	_ =	shalt  }
0x67: {  	_ =	shalt  }
0x68: {  	_ =	shalt  }
0x69: {  	_ =	shalt  }
0x6a: {  	_ =	shalt  }
0x6b: {  	_ =	shalt  }
0x6c: {  	_ =	shalt  }
0x6d: {  	_ =	shalt  }
0x6e: {  	_ =	shalt  }
0x6f: {  	_ =	shalt  }
0x70: {  	_ =	shalt  }
0x71: {  	_ =	shalt  }
0x72: {  	_ =	shalt  }
0x73: {  	_ =	shalt  }
0x74: {  	_ =	shalt  }
0x75: {  	_ =	shalt  }
0x76: {  	_ =	shalt  }
0x77: {  	_ =	shalt  }
0x78: {  	_ =	shalt  }
0x79: {  	_ =	shalt  }
0x7a: {  	_ =	shalt  }
0x7b: {  	_ =	shalt  }
0x7c: {  	_ =	shalt  }
0x7d: {  	_ =	shalt  }
0x7e: {  	_ =	shalt  }
0x7f: {  	_ =	shalt  }
0x80: {  	_ =	shalt  }
0x81: {  	_ =	shalt  }
0x82: {  	_ =	shalt  }
0x83: {  	_ =	shalt  }
0x84: {  	_ =	shalt  }
0x85: {  	_ =	shalt  }
0x86: {  	_ =	shalt  }
0x87: {  	_ =	shalt  }
.Lfunc_end0:
.L_simem_size_0:
called_computation.2_lowered:
.L_overlay_start_0:
0x88: {  	s2 =	sld [smem:$0x3FD9]  }
0x89: {  	s3 =	sld [smem:$0x3FFE];
	_ =	sdelay $0x1  }
0x8a: {  	s1 =	srdreg.scid  }
0x8b: {  	s0 =	sand.u32 $0x1, s1  }
0x8c: {  	s17 =	sshll.u32 s0, $0xA;
	s2 =	sadd.s32 s3, s2  }
0x8d: {  	s2 =	sadd.s32 s2, s17  }
0x8e: {  	[smem:$0x3FC0] =	sst s2  }
0x8f: {  	_ = 	snop  }
0x90: {  	s2 =	sld [smem:$0x3FD0];
	(tm) =	ssettm $0x1  }
0x91: {  	s18 =	sld [smem:$0x3FFB];
	_ =	sdelay $0x3  }
0x92: {  	_ =	strace s18  }
0x93: {  	s3 =	sld [smem:$0x3FFC];
	_ =	sdelay $0x3  }
0x94: {  	_ =	strace s3  }
0x95: {  	s3 =	sld [smem:$0x3FFD];
	_ =	sdelay $0x3  }
0x96: {  	_ =	strace s3  }
0x97: {  	_ =	strace $0x8FFFFFFF  }
0x98: {  	s19 =	sld [smem:$0x3FDB];
	_ =	sdelay $0x1  }
0x99: {  	s4 =	simm.s32 $_scs_section_size  }
0x9a: {  	s5 =	simm.s32 $_size__tile_overlayer_lowered;
	s6 =	simm.s32 $_tile_overlayer_lowered  }
0x9b: {  	s22 =	simm.s32 $0x1BFF;
	s21 =	sshll.u32 s6, $0x1;
	s3 =	sadd.s32 s4, s19  }
0x9c: {  	s7 =	simm.s32 $0x0;
	s20 =	sshll.u32 s5, $0x1;
	s5 =	sadd.s32 s21, s3  }
0x9d: {  	[timem:s7], [sflag:s22] =	dma.local [hbm:s5], s20  }
0x9e: {  	_ =	swait.ge [sflag:s22], s20  }
0x9f: {  	s4 =	ssub.s32 $0x0, s20;
	[sflag:s22] =	ssyncset.done $0x0  }
0xa0: {  	[sflag:s22] =	ssyncadd.s32 s4;
	_ =	sdelay $0x1  }
0xa1: {  	s23 =	simm.s32 $0x1B8B  }
0xa2: {  	_ =	swait.ge [sflag:s23], $0x1  }
0xa3: {  	[sflag:s23] =	ssyncset.done $0x0  }
0xa4: {  	s25 =	simm.s32 $0x1B8E;
	s24 =	sld [smem:$0x3FFE];
	[sflag:s23] =	ssyncadd.s32 $0xFFFFFFFF  }
0xa5: {  	s26 =	simm.s32 $execute0_lowered;
	[smem:$0x3FD2] =	sst s25  }
0xa6: {  	s5 =	sshll.u32 s26, $0x1;
	_ =	strace $0x8000004C;
	[dreg:$0x1] =	wrdreg $0xFFFFFFFF  }
0xa7: {  	s28 =	simm.s32 $_size_execute0_lowered;
	s3 =	sadd.s32 s3, s5;
	[dreg:$0x0] =	wrdreg $0x0  }
0xa8: {  	s5 =	sshll.u32 s28, $0x1;
	[dreg:$0x2] =	wrdreg s3  }
0xa9: {  	[dreg:$0x3] =	wrdreg s5  }
0xaa: {  	[dreg:$0x4] =	wrdreg $0xC0  }
0xab: {  	_ =	task [dreg:s7], $0x5FFFF  }
0xac: {  	[dreg:$0x1] =	wrdreg $0xFFFFFFFF  }
0xad: {  	[dreg:$0x0] =	wrdreg $0x60  }
0xae: {  	[dreg:$0x2] =	wrdreg s24  }
0xaf: {  	[dreg:$0x3] =	wrdreg s2  }
0xb0: {  	[dreg:$0x4] =	wrdreg $0x140000  }
0xb1: {  	[dreg:$0x5] =	wrdreg $0x9  }
0xb2: {  	_ =	task.clear_ibuf [dreg:s7], $0x6FFFF;
	_ =	strace $0x9000004C  }
0xb3: {  	s29 =	simm.s32 $0x9;
	_ =	strace $0x8000004E  }
0xb4: {  	_ =	swait.ge [sflag:s29], $0x1  }
0xb5: {  	[sflag:s29] =	ssyncadd.s32 $0xFFFFFFFF  }
0xb6: {  	_ =	strace $0x9000004E  }
0xb7: {  	_ =	sfence  }
0xb8: {  	s30 =	sld [smem:$0x0];
	_ =	sdelay $0x2  }
0xb9: {  	s31 =	sshll.u32 s1, $0xD;
	s1 =	sshrl.u32 s1, $0x2  }
0xba: {  	s3 =	sand.u32 $0x4000, s31;
	s1 =	sadd.s32 s1, s30  }
0xbb: {  	s0 =	sor.u32 s3, s0;
	s1 =	sshll.u32 s1, $0x11  }
0xbc: {  	s0 =	sor.u32 s1, s0  }
0xbd: {  	s0 =	sadd.s32 $0x8F2B, s0  }
0xbe: {  	[sflag:s0] =	ssyncadd.remote.s32 $0x1  }
0xbf: {  	_ =	sfence.sel $0xFFFF  }
0xc0: {  	[dreg:$0x0] =	wrdreg $0xFFFFFFFF;
	(pc) =	sbr.abs _section_cstart, $3  }
0xc1: {  	[dreg:$0x1] =	wrdreg $0xFFFFFFFF  }
0xc2: {  	_ =	task.clear_ibuf [dreg:s7], $0x2FFFF;
	_ =	strace $0x9FFFFFFF  }
0xc3: {  	(tm) =	ssettm $0x7FFFFFFF  }
tec
execute0_lowered:
.L_overlay_start_1:
0x0: {  	(tag) =	ssettag $0x1  }
0x1: {  	s8 =	rddreg [dreg:$0x0]  }
0x2: {  	s7 =	rddreg [dreg:$0x1]  }
0x3: {  	s2 =	rddreg [dreg:$0x2]  }
0x4: {  	s0 =	rddreg [dreg:$0x3]  }
0x5: {  	s3 =	simm.s32 $0x0;
	s4 =	srdreg.scid;
	s1 =	stileid.u32  }
0x6: {  	s13 =	simm.s32 $0x36200;
	s14 =	simm.s32 $0x2;
	s15 =	simm.s32 $0x1  }
0x7: {  	s16 =	simm.s32 $0x140;
	s17 =	simm.s32 $0xA000;
	s18 =	simm.s32 $0xF000  }
0x8: {  	s19 =	simm.s32 $0x4;
	s20 =	simm.s32 $0x4EC0;
	s21 =	simm.s32 $0x9D80  }
0x9: {  	s22 =	simm.s32 $0x9EC0;
	s23 =	simm.s32 $0x10;
	s24 =	simm.s32 $0x8  }
0xa: {  	s25 =	simm.s32 $0x0;
	[smem:$0x7FF] =	sst s3;
	s5 =	smul.u32 $0x14000, s1  }
0xb: {  	s6 =	sand.u32 $0x1, s4;
	s4 =	sadd.s32 $0x40200, s8;
	s11 =	smul.u32 $0x28000, s1  }
0xc: {  	s30 =	smul.u32 $0xA00, s1;
	s31 =	sshll.u32 s1, $0x6;
	_ =	strace $0x8000004D  }
0xd: {  	s9 =	sshll.u32 s6, $0x6;
	s10 =	ssub.s32 $0x2, s6;
	p0 =	seq.s32 s6, $0x1  }
0xe: {  	s6 =	sor.u32 $0x1C03, s31;
	s9 =	sor.u32 s9, s5;
	s5 =	sadd.s32 $0x67400, s8  }
0xf: {  	s12 =	sshrl.u32 s10, $0x1;
	s11 =	sshrl.u32 s11, $0x2;
	s13 =	simm.s32 @!p0 $0x3800  }
0x10: {  	s7 =	sadd.s32 s7, s30;
	s9 =	sshrl.u32 s9, $0x3;
	s10 =	ssub.s32 s10, s12  }
0x11: {  	s11 =	sadd.s32 s11, s2;
	s13 =	sadd.s32 s13, s8;
	s9 =	sadd.s32 s9, s8  }
0x12: {  	s12 =	simm.s32 $0x3;
	s11 =	sshrl.u32 s11, $0x3;
	s8 =	sadd.s32 $0x68800, s9  }
0x13: {  	s9 =	smax.u32 s10, $0x1;
	s10 =	sadd.s32 s13, s30;
	s13 =	simm.s32 $0x5000  }
.LBB2_1:
0x14: {  	[spmem:s11], [sflag:s6] =	dma.local [hbm:s5], $0x1400  }
0x15: {  	_ =	swait.ge [sflag:s12], $0x1400  }
0x16: {  	[sflag:s12] =	ssyncset.done $0x0  }
0x17: {  	[sflag:s12] =	ssyncadd.s32 $0xFFFFEC00  }
0x18: {  	[tilespmem:s13], [sflag:$0x2] =	stream.linear.gather [hbm4b:s7+s3], $0x5000, $0x38;
	[tilespmem:$0x1E000] =	vst v63  }
0x19: {  	_ =	swait.ge [sflag:s14], $0x5000  }
0x1a: {  	[sflag:s14] =	ssyncset.done $0x0  }
0x1b: {  	[sflag:s14] =	ssyncadd.s32 $0xFFFFB000  }
0x1c: {  	[tilespmem:s3], [sflag:$0x1] =	stream.linear.gather [hbm4b:s10+s3], $0x5000, $0x38;
	[tilespmem:$0x1E000] =	vst v63  }
0x1d: {  	_ =	swait.ge [sflag:s15], $0x5000  }
0x1e: {  	[sflag:s15] =	ssyncset.done $0x0  }
0x1f: {  	[sflag:s15] =	ssyncadd.s32 $0xFFFFB000  }
0x20: {  	[bflag:$0x0] =	sbarrier.arrive $0xFFFF  }
0x21: {  	[tilespmem:s17], [sflag:$0x1] =	stream.indirect.gather [hbm4b:s4+s16], $0x40, s3, s16, $0xb8;
	[tilespmem:$0x1E000] =	vst v63  }
0x22: {  	_ =	swait.ge [sflag:s15], $0x5000  }
0x23: {  	[sflag:s15] =	ssyncset.done $0x0  }
0x24: {  	s26 =	simm.s32 $0x140;
	[sflag:s15] =	ssyncadd.s32 $0xFFFFB000  }
0x25: {  	[tilespmem:s18], [sflag:$0x2] =	stream.indirect.gather [hbm4b:s4+s16], $0x40, s26, s16, $0xb8;
	[tilespmem:$0x1E000] =	vst v63  }
0x26: {  	s29 =	simm.s32 $0x5000  }
0x27: {  	[spmem:s2] =	stream.indirect.scatter.add.f32 [tilespmem:s17], [sflag:$0x4], $0x40, s29, s16, $0xb8;
	[tilespmem:$0x1E000] =	vst v63  }
0x28: {  	_ =	swait.ge [sflag:s19], $0x5000  }
0x29: {  	[sflag:s19] =	ssyncset.done $0x0  }
0x2a: {  	[sflag:s19] =	ssyncadd.s32 $0xFFFFB000  }
0x2b: {  	_ =	swait.ge [sflag:s14], $0x5000  }
0x2c: {  	[sflag:s14] =	ssyncset.done $0x0  }
0x2d: {  	s30 =	simm.s32 $0x280;
	[sflag:s14] =	ssyncadd.s32 $0xFFFFB000  }
0x2e: {  	[tilespmem:s17], [sflag:$0x1] =	stream.indirect.gather [hbm4b:s4+s16], $0x40, s30, s16, $0xb8;
	[tilespmem:$0x1E000] =	vst v63  }
0x2f: {  	s31 =	simm.s32 $0x5140  }
0x30: {  	[spmem:s2] =	stream.indirect.scatter.add.f32 [tilespmem:s18], [sflag:$0x4], $0x40, s31, s16, $0xb8;
	[tilespmem:$0x1E000] =	vst v63  }
0x31: {  	_ =	swait.ge [sflag:s19], $0x5000  }
0x32: {  	s26 =	simm.s32 $0xA00;
	[sflag:s19] =	ssyncset.done $0x0  }
.LBB2_2:
0x33: {  	p0 =	sne.s32 s26, $0x12C00  }
0x34: {  	[sflag:s19] =	ssyncadd.s32 $0xFFFFB000;
	s28 =	smov.u32 s26;
	s26 =	sadd.s32 $0xA00, s26  }
0x35: {  	_ = 	snop  }
0x36: {  	_ =	swait.ge [sflag:s15], $0x5000  }
0x37: {  	s28 =	sshra.s32 s28, $0x2;
	[sflag:s15] =	ssyncset.done $0x0  }
0x38: {  	s29 =	sadd.s32 $0x140, s28;
	[sflag:s15] =	ssyncadd.s32 $0xFFFFB000  }
0x39: {  	[tilespmem:s18], [sflag:$0x2] =	stream.indirect.gather [hbm4b:s4+s16], $0x40, s29, s16, $0xb8;
	[tilespmem:$0x1E000] =	vst v63  }
0x3a: {  	s29 =	sadd.s32 $0x5000, s28  }
0x3b: {  	[spmem:s2] =	stream.indirect.scatter.add.f32 [tilespmem:s17], [sflag:$0x4], $0x40, s29, s16, $0xb8;
	[tilespmem:$0x1E000] =	vst v63  }
0x3c: {  	_ =	swait.ge [sflag:s19], $0x5000  }
0x3d: {  	[sflag:s19] =	ssyncset.done $0x0  }
0x3e: {  	[sflag:s19] =	ssyncadd.s32 $0xFFFFB000  }
0x3f: {  	_ =	swait.ge [sflag:s14], $0x5000  }
0x40: {  	[sflag:s14] =	ssyncset.done $0x0  }
0x41: {  	s29 =	sadd.s32 $0x280, s28;
	[sflag:s14] =	ssyncadd.s32 $0xFFFFB000  }
0x42: {  	[tilespmem:s17], [sflag:$0x1] =	stream.indirect.gather [hbm4b:s4+s16], $0x40, s29, s16, $0xb8;
	[tilespmem:$0x1E000] =	vst v63  }
.Ltmp0:
0x43: {  	_ = 	snop;
	(pc) =	sbr.rel @p0 .LBB2_2-.Ltmp0, $4  }
0x44: {  	s28 =	sadd.s32 $0x5140, s28  }
0x45: {  	[spmem:s2] =	stream.indirect.scatter.add.f32 [tilespmem:s18], [sflag:$0x4], $0x40, s28, s16, $0xb8;
	[tilespmem:$0x1E000] =	vst v63  }
0x46: {  	_ =	swait.ge [sflag:s19], $0x5000  }
0x47: {  	[sflag:s19] =	ssyncset.done $0x0  }
0x48: {  	[sflag:s19] =	ssyncadd.s32 $0xFFFFB000  }
0x49: {  	_ =	swait.ge [sflag:s15], $0x5000  }
0x4a: {  	[sflag:s15] =	ssyncset.done $0x0  }
0x4b: {  	[sflag:s15] =	ssyncadd.s32 $0xFFFFB000  }
0x4c: {  	[tilespmem:s18], [sflag:$0x2] =	stream.indirect.gather [hbm4b:s4+s16], $0x40, s20, s16, $0xb8;
	[tilespmem:$0x1E000] =	vst v63  }
0x4d: {  	_ = 	snop  }
0x4e: {  	[spmem:s2] =	stream.indirect.scatter.add.f32 [tilespmem:s17], [sflag:$0x4], $0x40, s21, s16, $0xb8;
	[tilespmem:$0x1E000] =	vst v63  }
0x4f: {  	_ =	swait.ge [sflag:s19], $0x5000  }
0x50: {  	[sflag:s19] =	ssyncset.done $0x0  }
0x51: {  	[sflag:s19] =	ssyncadd.s32 $0xFFFFB000  }
0x52: {  	_ =	swait.ge [sflag:s14], $0x5000  }
0x53: {  	[sflag:s14] =	ssyncset.done $0x0  }
0x54: {  	[sflag:s14] =	ssyncadd.s32 $0xFFFFB000  }
0x55: {  	[spmem:s2] =	stream.indirect.scatter.add.f32 [tilespmem:s18], [sflag:$0x4], $0x40, s22, s16, $0xb8;
	[tilespmem:$0x1E000] =	vst v63  }
0x56: {  	_ =	swait.ge [sflag:s19], $0x5000  }
0x57: {  	s25 =	sadd.s32 $0x1, s25;
	[sflag:s19] =	ssyncset.done $0x0  }
0x58: {  	p0 =	sne.s32 s25, s9;
	[sflag:s19] =	ssyncadd.s32 $0xFFFFB000  }
.Ltmp1:
0x59: {  	[bflag:$0x0] =	sbarrier.arrive $0xFFFF;
	(pc) =	sbr.rel @p0 .LBB2_1-.Ltmp1, $4  }
0x5a: {  	[hbm:s8@s23], [sflag:s6] =	dma.strided [spmem:s11@s24], $0x1400, s15, $0x8   }
0x5b: {  	_ =	swait.ge [sflag:s12], $0x1400  }
0x5c: {  	[sflag:s12] =	ssyncset.done $0x0  }
0x5d: {  	[sflag:s12] =	ssyncadd.s32 $0xFFFFEC00  }
0x5e: {  	_ =	sfence.sel $0x180000  }
0x5f: {  	[bflag:$0x0] =	sbarrier.arrive $0xFFFF  }
0x60: {  	p0 =	sne.s32 s1, $0x0;
	_ =	strace $0x9000004D  }
0x61: {  	s0 =	sadd.s32 @!p0 $0x100000, s0;
	[bflag:$0x2] =	sbarrier.arrive $0xFFFF  }
0x62: {  	[sflag:s0] =	ssyncadd.tile.s32 @!p0 $0x1;
	_ =	shalt  }
.Lfunc_end2:
_tile_overlayer_lowered:
.L_overlay_start_2:
0x63: {  	(tag) =	ssettag $0x2  }
0x64: {  	s0 =	rddreg [dreg:$0x0];
	s2 =	stileid.u32  }
0x65: {  	s1 =	rddreg [dreg:$0x1];
	p0 =	sne.s32 s2, $0x0  }
0x66: {  	s3 =	rddreg [dreg:$0x2];
	[bflag:$0x3] =	sbarrier.arrive $0xFFFF;
	s2 =	simm.s32 @!p0 $0x1C04  }
0x67: {  	[timem:s3], [sflag:s2] =	dma.local @!p0 [hbm:s0], s1  }
0x68: {  	s0 =	simm.s32 @!p0 $0x4  }
0x69: {  	_ =	swait.ge @!p0 [sflag:s0], s1  }
0x6a: {  	s1 =	ssub.s32 @!p0 $0x0, s1;
	[sflag:s0] =	ssyncset.done @!p0 $0x0  }
0x6b: {  	[sflag:s0] =	ssyncadd.s32 @!p0 s1  }
0x6c: {  	[bflag:$0x3] =	sbarrier.arrive $0xFFFF  }
0x6d: {  	_ =	shalt  }

// kernel: kernel.8.cloned.1.call-start
scs
__scs_entry_jumppad:
0x0: {  	(pc) =	sbr.rel $0x88, $3  }
0x1: {  	(tag) =	ssettag $0x0;
	lr =	simm.s32 $0x1  }
0x2: {  	[smem:$0x3F99] =	sst lr;
	_ =	strace $0xD0000000  }
0x3: {  	_ = 	snop  }
0x4: {  	_ = 	snop  }
0x5: {  	_ = 	snop  }
0x6: {  	_ = 	snop  }
0x7: {  	_ = 	snop  }
__scs_overlays_trampoline_lowered:
0x8: {  	[smem:$0x3FA8] =	sst s0  }
0x9: {  	[smem:$0x3FA9] =	sst s1  }
0xa: {  	[smem:$0x3FAA] =	sst s2  }
0xb: {  	[smem:$0x3FAB] =	sst s3  }
0xc: {  	[smem:$0x3FAC] =	sst s4  }
0xd: {  	[smem:$0x3FAD] =	sst s5  }
0xe: {  	[smem:$0x3FAE] =	sst s6  }
0xf: {  	[smem:$0x3FAF] =	sst s7  }
0x10: {  	[smem:$0x3FB0] =	sst s8  }
0x11: {  	[smem:$0x3FB1] =	sst s9;
	s0 =	simm.s32 @!p0 $0x0  }
0x12: {  	s1 =	sld [smem:$0x3F97];
	s0 =	simm.s32 @p0 $0x1  }
0x13: {  	[smem:$0x3FB2] =	sst s0;
	s0 =	simm.s32 @!p1 $0x0  }
0x14: {  	s2 =	sld [smem:$0x3F96];
	s0 =	simm.s32 @p1 $0x1  }
0x15: {  	[smem:$0x3FB3] =	sst s0;
	s0 =	simm.s32 @!p2 $0x0  }
0x16: {  	s3 =	sld [smem:$0x3FDB];
	s0 =	simm.s32 @p2 $0x1  }
0x17: {  	s4 =	simm.s32 $0x1BF5;
	[smem:$0x3FB5] =	sst s0  }
0x18: {  	s0 =	sld [smem:$0x3F98];
	_ =	swait.ge [sflag:s4], $0x0  }
0x19: {  	s7 =	sld [smem:$0x3F99]  }
0x1a: {  	s8 =	sadd.s32 $0xFFFFE003, lr  }
0x1b: {  	s9 =	sadd.s32 $0xFFFFFEF7, lr;
	s5 =	simm.s32 $0xFFFFFFFF;
	p2 =	slt.u32 s8, $0xFFFFF086  }
0x1c: {  	p1 =	slt.u32 s9, $0xF7A;
	s5 =	simm.s32 @!p2 $0x0  }
0x1d: {  	s5 =	simm.s32 @p1 $0x1;
	p0 =	seq.s32 s7, s2  }
0x1e: {  	s7 =	smul.u32 @!p0 $0xF7A, s2;
	p2 =	seq.s32 @!p0 s5, $0x0  }
0x1f: {  	s9 =	smul.u32 $0xF7A, s1;
	s8 =	simm.s32 @!p0 $0x1BF5;
	p2 =	por !p2, p0  }
0x20: {  	[sflag:s8] =	ssyncset.s32 @!p0 $0xFFFFF086;
	s6 =	sadd.s32 @!p0 s3, s7;
	s7 =	simm.s32 @!p0 $0x108  }
0x21: {  	s3 =	sadd.s32 s3, s9;
	s6 =	sadd.s32 @!p0 $0x88, s6;
	s7 =	simm.s32 @p2 $0x1082  }
0x22: {  	[simem:s7], [sflag:s8] =	dma.local @!p0 [hbm:s6], $0xF7A  }
0x23: {  	s9 =	sor.u32 $0xD0000000, s2;
	s6 =	simm.s32 $0x108;
	_ =	swait.ge @!p0 [sflag:s8], $0x0  }
0x24: {  	s3 =	sadd.s32 $0x88, s3;
	s6 =	simm.s32 @!p1 $0x1082;
	[sflag:s4] =	ssyncset.s32 $0xFFFFF086  }
0x25: {  	[simem:s6], [sflag:s4] =	dma.local [hbm:s3], $0xF7A  }
0x26: {  	[smem:$0x3F99] =	sst s1;
	(tag) =	ssettag s2;
	_ =	strace s9  }
0x27: {  	s1 =	sld [smem:$0x3FA9]  }
0x28: {  	s2 =	sld [smem:$0x3FAA]  }
0x29: {  	s4 =	sld [smem:$0x3FAC]  }
0x2a: {  	p0 =	seq.s32 s5, $0x0;
	s5 =	sld [smem:$0x3FAD]  }
0x2b: {  	s6 =	sld [smem:$0x3FAE]  }
0x2c: {  	s7 =	sld [smem:$0x3FAF]  }
0x2d: {  	s3 =	simm.s32 $0x108;
	s8 =	sld [smem:$0x3FB0]  }
0x2e: {  	s3 =	simm.s32 @!p0 $0x1082;
	s9 =	sld [smem:$0x3FB1]  }
0x2f: {  	lr =	sadd.s32 s0, s3;
	s0 =	sld [smem:$0x3FA8]  }
0x30: {  	s3 =	sld [smem:$0x3FAB]  }
0x31: {  	[smem:$0x3FB4] =	sst s10  }
0x32: {  	s10 =	sld [smem:$0x3FB2];
	_ =	sdelay $0x3  }
0x33: {  	p0 =	seq.s32 s10, $0x1;
	s10 =	sld [smem:$0x3FB4];
	_ =	sdelay $0x3  }
0x34: {  	[smem:$0x3FB4] =	sst s10  }
0x35: {  	s10 =	sld [smem:$0x3FB3];
	_ =	sdelay $0x3  }
0x36: {  	p1 =	seq.s32 s10, $0x1;
	s10 =	sld [smem:$0x3FB4];
	_ =	sdelay $0x3  }
0x37: {  	[smem:$0x3FB4] =	sst s10  }
0x38: {  	s10 =	sld [smem:$0x3FB5]  }
0x39: {  	_ = 	snop;
	(pc) =	sbr.ind lr, $3  }
0x3a: {  	_ = 	snop  }
0x3b: {  	_ = 	snop  }
0x3c: {  	p2 =	seq.s32 s10, $0x1;
	s10 =	sld [smem:$0x3FB4]  }
0x3d: {  	_ =	shalt  }
0x3e: {  	_ =	shalt  }
0x3f: {  	_ =	shalt  }
0x40: {  	_ =	shalt  }
0x41: {  	_ =	shalt  }
0x42: {  	_ =	shalt  }
0x43: {  	_ =	shalt  }
0x44: {  	_ =	shalt  }
0x45: {  	_ =	shalt  }
0x46: {  	_ =	shalt  }
0x47: {  	_ =	shalt  }
0x48: {  	_ =	shalt  }
0x49: {  	_ =	shalt  }
0x4a: {  	_ =	shalt  }
0x4b: {  	_ =	shalt  }
0x4c: {  	_ =	shalt  }
0x4d: {  	_ =	shalt  }
0x4e: {  	_ =	shalt  }
0x4f: {  	_ =	shalt  }
0x50: {  	_ =	shalt  }
0x51: {  	_ =	shalt  }
0x52: {  	_ =	shalt  }
0x53: {  	_ =	shalt  }
0x54: {  	_ =	shalt  }
0x55: {  	_ =	shalt  }
0x56: {  	_ =	shalt  }
0x57: {  	_ =	shalt  }
0x58: {  	_ =	shalt  }
0x59: {  	_ =	shalt  }
0x5a: {  	_ =	shalt  }
0x5b: {  	_ =	shalt  }
0x5c: {  	_ =	shalt  }
0x5d: {  	_ =	shalt  }
0x5e: {  	_ =	shalt  }
0x5f: {  	_ =	shalt  }
0x60: {  	_ =	shalt  }
0x61: {  	_ =	shalt  }
0x62: {  	_ =	shalt  }
0x63: {  	_ =	shalt  }
0x64: {  	_ =	shalt  }
0x65: {  	_ =	shalt  }
0x66: {  	_ =	shalt  }
0x67: {  	_ =	shalt  }
0x68: {  	_ =	shalt  }
0x69: {  	_ =	shalt  }
0x6a: {  	_ =	shalt  }
0x6b: {  	_ =	shalt  }
0x6c: {  	_ =	shalt  }
0x6d: {  	_ =	shalt  }
0x6e: {  	_ =	shalt  }
0x6f: {  	_ =	shalt  }
0x70: {  	_ =	shalt  }
0x71: {  	_ =	shalt  }
0x72: {  	_ =	shalt  }
0x73: {  	_ =	shalt  }
0x74: {  	_ =	shalt  }
0x75: {  	_ =	shalt  }
0x76: {  	_ =	shalt  }
0x77: {  	_ =	shalt  }
0x78: {  	_ =	shalt  }
0x79: {  	_ =	shalt  }
0x7a: {  	_ =	shalt  }
0x7b: {  	_ =	shalt  }
0x7c: {  	_ =	shalt  }
0x7d: {  	_ =	shalt  }
0x7e: {  	_ =	shalt  }
0x7f: {  	_ =	shalt  }
0x80: {  	_ =	shalt  }
0x81: {  	_ =	shalt  }
0x82: {  	_ =	shalt  }
0x83: {  	_ =	shalt  }
0x84: {  	_ =	shalt  }
0x85: {  	_ =	shalt  }
0x86: {  	_ =	shalt  }
0x87: {  	_ =	shalt  }
.Lfunc_end0:
.L_simem_size_0:
called_computation_lowered:
.L_overlay_start_0:
0x88: {  	s2 =	sld [smem:$0x3FD9]  }
0x89: {  	s3 =	sld [smem:$0x3FFE];
	_ =	sdelay $0x1  }
0x8a: {  	s1 =	srdreg.scid  }
0x8b: {  	s0 =	sand.u32 $0x1, s1  }
0x8c: {  	s17 =	sshll.u32 s0, $0xA;
	s2 =	sadd.s32 s3, s2  }
0x8d: {  	s2 =	sadd.s32 s2, s17  }
0x8e: {  	[smem:$0x3FC0] =	sst s2  }
0x8f: {  	_ = 	snop  }
0x90: {  	s2 =	sld [smem:$0x3FD0];
	(tm) =	ssettm $0x1  }
0x91: {  	s18 =	sld [smem:$0x3FFB];
	_ =	sdelay $0x3  }
0x92: {  	_ =	strace s18  }
0x93: {  	s3 =	sld [smem:$0x3FFC];
	_ =	sdelay $0x3  }
0x94: {  	_ =	strace s3  }
0x95: {  	s3 =	sld [smem:$0x3FFD];
	_ =	sdelay $0x3  }
0x96: {  	_ =	strace s3  }
0x97: {  	_ =	strace $0x8FFFFFFF  }
0x98: {  	s19 =	sld [smem:$0x3FDB];
	_ =	sdelay $0x1  }
0x99: {  	s4 =	simm.s32 $_scs_section_size  }
0x9a: {  	s5 =	simm.s32 $_size__tile_overlayer_lowered;
	s6 =	simm.s32 $_tile_overlayer_lowered  }
0x9b: {  	s22 =	simm.s32 $0x1BFF;
	s21 =	sshll.u32 s6, $0x1;
	s3 =	sadd.s32 s4, s19  }
0x9c: {  	s7 =	simm.s32 $0x0;
	s20 =	sshll.u32 s5, $0x1;
	s5 =	sadd.s32 s21, s3  }
0x9d: {  	[timem:s7], [sflag:s22] =	dma.local [hbm:s5], s20  }
0x9e: {  	_ =	swait.ge [sflag:s22], s20  }
0x9f: {  	s4 =	ssub.s32 $0x0, s20;
	[sflag:s22] =	ssyncset.done $0x0  }
0xa0: {  	[sflag:s22] =	ssyncadd.s32 s4;
	_ =	sdelay $0x1  }
0xa1: {  	s23 =	simm.s32 $0x1B8B  }
0xa2: {  	_ =	swait.ge [sflag:s23], $0x1  }
0xa3: {  	[sflag:s23] =	ssyncset.done $0x0  }
0xa4: {  	s25 =	simm.s32 $0x1B8E;
	s24 =	sld [smem:$0x3FFE];
	[sflag:s23] =	ssyncadd.s32 $0xFFFFFFFF  }
0xa5: {  	s26 =	simm.s32 $execute0_lowered;
	[smem:$0x3FD2] =	sst s25  }
0xa6: {  	s5 =	sshll.u32 s26, $0x1;
	_ =	strace $0x80000046;
	[dreg:$0x1] =	wrdreg $0xFFFFFFFF  }
0xa7: {  	s28 =	simm.s32 $_size_execute0_lowered;
	s3 =	sadd.s32 s3, s5;
	[dreg:$0x0] =	wrdreg $0x0  }
0xa8: {  	s5 =	sshll.u32 s28, $0x1;
	[dreg:$0x2] =	wrdreg s3  }
0xa9: {  	[dreg:$0x3] =	wrdreg s5  }
0xaa: {  	[dreg:$0x4] =	wrdreg $0xC0  }
0xab: {  	_ =	task [dreg:s7], $0x5FFFF  }
0xac: {  	[dreg:$0x1] =	wrdreg $0xFFFFFFFF  }
0xad: {  	[dreg:$0x0] =	wrdreg $0x60  }
0xae: {  	[dreg:$0x2] =	wrdreg s2  }
0xaf: {  	[dreg:$0x3] =	wrdreg s24  }
0xb0: {  	[dreg:$0x4] =	wrdreg $0x3C000  }
0xb1: {  	[dreg:$0x5] =	wrdreg $0x9  }
0xb2: {  	_ =	task.clear_ibuf [dreg:s7], $0x6FFFF;
	_ =	strace $0x90000046  }
0xb3: {  	s29 =	simm.s32 $0x9;
	_ =	strace $0x80000048  }
0xb4: {  	_ =	swait.ge [sflag:s29], $0x1  }
0xb5: {  	[sflag:s29] =	ssyncadd.s32 $0xFFFFFFFF  }
0xb6: {  	_ =	strace $0x90000048  }
0xb7: {  	_ =	sfence  }
0xb8: {  	s30 =	sld [smem:$0x0];
	_ =	sdelay $0x2  }
0xb9: {  	s31 =	sshll.u32 s1, $0xD;
	s1 =	sshrl.u32 s1, $0x2  }
0xba: {  	s3 =	sand.u32 $0x4000, s31;
	s1 =	sadd.s32 s1, s30  }
0xbb: {  	s0 =	sor.u32 s3, s0;
	s1 =	sshll.u32 s1, $0x11  }
0xbc: {  	s0 =	sor.u32 s1, s0  }
0xbd: {  	s0 =	sadd.s32 $0x8F2B, s0  }
0xbe: {  	[sflag:s0] =	ssyncadd.remote.s32 $0x1  }
0xbf: {  	_ =	sfence.sel $0xFFFF  }
0xc0: {  	[dreg:$0x0] =	wrdreg $0xFFFFFFFF;
	(pc) =	sbr.abs _section_cstart, $3  }
0xc1: {  	[dreg:$0x1] =	wrdreg $0xFFFFFFFF  }
0xc2: {  	_ =	task.clear_ibuf [dreg:s7], $0x2FFFF;
	_ =	strace $0x9FFFFFFF  }
0xc3: {  	(tm) =	ssettm $0x7FFFFFFF  }
tec
execute0_lowered:
.L_overlay_start_1:
0x0: {  	(tag) =	ssettag $0x1  }
0x1: {  	s7 =	rddreg [dreg:$0x0]  }
0x2: {  	s6 =	rddreg [dreg:$0x1]  }
0x3: {  	s2 =	rddreg [dreg:$0x2]  }
0x4: {  	s0 =	rddreg [dreg:$0x3]  }
0x5: {  	s4 =	srdreg.scid;
	s1 =	stileid.u32;
	s3 =	simm.s32 $0x0  }
0x6: {  	s13 =	simm.s32 $0x140;
	s14 =	simm.s32 $0x2;
	s15 =	simm.s32 $0x10  }
0x7: {  	s16 =	simm.s32 $0x0;
	s8 =	sand.u32 $0x1, s4;
	s28 =	smul.u32 $0x14000, s1  }
0x8: {  	[smem:$0x7FF] =	sst s3;
	s4 =	sadd.s32 $0xDE00, s6;
	s5 =	sadd.s32 $0xD800, s6  }
0x9: {  	s11 =	smul.u32 $0xA000, s1;
	s31 =	sshll.u32 s1, $0x6;
	s9 =	sshll.u32 s8, $0x4  }
0xa: {  	_ =	strace $0x80000047;
	s8 =	ssub.s32 $0x2, s8;
	s10 =	sor.u32 s9, s28  }
0xb: {  	s9 =	sor.u32 s1, s9;
	s29 =	sshrl.u32 s8, $0x1;
	s30 =	sshrl.u32 s11, $0x2  }
0xc: {  	s10 =	sshrl.u32 s10, $0x3;
	s9 =	smul.u32 $0x500, s9;
	s12 =	ssub.s32 s8, s29  }
0xd: {  	s11 =	sadd.s32 s30, s2;
	s10 =	sadd.s32 s10, s6;
	s6 =	sor.u32 $0x1C01, s31  }
0xe: {  	s7 =	sadd.s32 s7, s9;
	s8 =	sadd.s32 $0xE200, s10;
	s9 =	smax.u32 s12, $0x1  }
0xf: {  	s10 =	sshrl.u32 s11, $0x3;
	s11 =	simm.s32 $0x1;
	s12 =	simm.s32 $0x2800  }
.LBB2_1:
0x10: {  	[spmem:s10], [sflag:s6] =	dma.local [hbm:s5], $0x500  }
0x11: {  	_ =	swait.ge [sflag:s11], $0x500  }
0x12: {  	[sflag:s11] =	ssyncset.done $0x0  }
0x13: {  	[sflag:s11] =	ssyncadd.s32 $0xFFFFFB00  }
0x14: {  	[tilespmem:s12], [sflag:$0x1] =	stream.linear.gather [hbm4b:s4+s3], $0x1400, $0x38;
	[tilespmem:$0x6400] =	vst v63  }
0x15: {  	_ =	swait.ge [sflag:s11], $0x1400  }
0x16: {  	[sflag:s11] =	ssyncset.done $0x0  }
0x17: {  	[sflag:s11] =	ssyncadd.s32 $0xFFFFEC00  }
0x18: {  	[tilespmem:s3], [sflag:$0x1] =	stream.linear.gather [hbm4b:s7+s3], $0x2800, $0x38;
	[tilespmem:$0x6400] =	vst v63  }
0x19: {  	_ =	swait.ge [sflag:s11], $0x2800  }
0x1a: {  	[sflag:s11] =	ssyncset.done $0x0  }
0x1b: {  	[sflag:s11] =	ssyncadd.s32 $0xFFFFD800  }
0x1c: {  	s17 =	simm.s32 $0x0;
	[bflag:$0x0] =	sbarrier.arrive $0xFFFF  }
0x1d: {  	[spmem:s2] =	stream.indirect.scatter.add.f32 [tilespmem:s12], [sflag:$0x2], $0x10, s17, s13, $0xb8;
	[tilespmem:$0x6400] =	vst v63  }
0x1e: {  	_ =	swait.ge [sflag:s14], $0x1400  }
0x1f: {  	s17 =	simm.s32 $0x500;
	[sflag:s14] =	ssyncset.done $0x0  }
.LBB2_2:
0x20: {  	s18 =	sshra.s32 s17, $0x2;
	[sflag:s14] =	ssyncadd.s32 $0xFFFFEC00;
	p0 =	sne.s32 s17, $0x9B00  }
0x21: {  	[spmem:s2] =	stream.indirect.scatter.add.f32 [tilespmem:s12], [sflag:$0x2], $0x10, s18, s13, $0xb8;
	[tilespmem:$0x6400] =	vst v63  }
.Ltmp0:
0x22: {  	_ = 	snop;
	(pc) =	sbr.rel @p0 .LBB2_2-.Ltmp0, $4  }
0x23: {  	_ = 	snop  }
0x24: {  	s17 =	sadd.s32 $0x500, s17  }
0x25: {  	_ =	swait.ge [sflag:s14], $0x1400  }
0x26: {  	[sflag:s14] =	ssyncset.done $0x0  }
0x27: {  	s16 =	sadd.s32 $0x1, s16  }
0x28: {  	[sflag:s14] =	ssyncadd.s32 $0xFFFFEC00;
	p0 =	sne.s32 s16, s9  }
.Ltmp1:
0x29: {  	[bflag:$0x0] =	sbarrier.arrive $0xFFFF;
	(pc) =	sbr.rel @p0 .LBB2_1-.Ltmp1, $4  }
0x2a: {  	[hbm:s8@s15], [sflag:s6] =	dma.strided [spmem:s10@s14], $0x500, s11, $0x2   }
0x2b: {  	_ =	swait.ge [sflag:s11], $0x500  }
0x2c: {  	[sflag:s11] =	ssyncset.done $0x0  }
0x2d: {  	[sflag:s11] =	ssyncadd.s32 $0xFFFFFB00  }
0x2e: {  	_ =	sfence.sel $0x180000  }
0x2f: {  	[bflag:$0x0] =	sbarrier.arrive $0xFFFF  }
0x30: {  	p0 =	sne.s32 s1, $0x0;
	_ =	strace $0x90000047  }
0x31: {  	s0 =	sadd.s32 @!p0 $0x100000, s0;
	[bflag:$0x2] =	sbarrier.arrive $0xFFFF  }
0x32: {  	[sflag:s0] =	ssyncadd.tile.s32 @!p0 $0x1;
	_ =	shalt  }
.Lfunc_end2:
_tile_overlayer_lowered:
.L_overlay_start_2:
0x33: {  	(tag) =	ssettag $0x2  }
0x34: {  	s0 =	rddreg [dreg:$0x0];
	s2 =	stileid.u32  }
0x35: {  	s1 =	rddreg [dreg:$0x1];
	p0 =	sne.s32 s2, $0x0  }
0x36: {  	s3 =	rddreg [dreg:$0x2];
	[bflag:$0x3] =	sbarrier.arrive $0xFFFF;
	s2 =	simm.s32 @!p0 $0x1C02  }
0x37: {  	[timem:s3], [sflag:s2] =	dma.local @!p0 [hbm:s0], s1  }
0x38: {  	s0 =	simm.s32 @!p0 $0x2  }
0x39: {  	_ =	swait.ge @!p0 [sflag:s0], s1  }
0x3a: {  	s1 =	ssub.s32 @!p0 $0x0, s1;
	[sflag:s0] =	ssyncset.done @!p0 $0x0  }
0x3b: {  	[sflag:s0] =	ssyncadd.s32 @!p0 s1  }
0x3c: {  	[bflag:$0x3] =	sbarrier.arrive $0xFFFF  }
0x3d: {  	_ =	shalt  }

</sc_bundles>
